<compile_context>
chip_gen: v7x
topology: tpu7x:2x2x1
jax: 0.10.2.dev20260603
libtpu: 0.0.44.dev20260713+nightly
codegen_flags: <defaults>
</compile_context>

<pallas_src>
import functools

import jax
import jax.numpy as jnp
from jax import lax
from jax.experimental import pallas as pl
from jax.experimental.pallas import tpu as pltpu
from jax.experimental.pallas import tpu_sc as plsc

_NC = 2
_NS = 16
_NW = _NC * _NS
_RB = 16


@functools.lru_cache(maxsize=None)
def _make_gather(B, H, V, D):
    assert B % _NW == 0
    bpw = B // _NW
    assert bpw % _RB == 0
    nblk = bpw // _RB

    mesh = plsc.VectorSubcoreMesh(core_axis_name="c", subcore_axis_name="s")

    @functools.partial(
        pl.kernel,
        out_type=jax.ShapeDtypeStruct((B, H, D), jnp.float32),
        mesh=mesh,
        scratch_types=[
            pltpu.VMEM((bpw, H), jnp.int32),
            pltpu.VMEM((2, _RB, H, D), jnp.float32),
            pltpu.SemaphoreType.DMA,
        ],
        compiler_params=pltpu.CompilerParams(use_tc_tiling_on_sc=False),
    )
    def gather_kernel(x_hbm, table_hbm, out_hbm, idx_v, rows_v, sem_g):
        wid = lax.axis_index("s") * _NC + lax.axis_index("c")
        xbase = wid * bpw
        pltpu.sync_copy(x_hbm.at[pl.ds(xbase, bpw)], idx_v)

        def fire(i, buf):
            for j in range(_RB):
                pltpu.make_async_copy(
                    table_hbm.at[idx_v.at[i * _RB + j]],
                    rows_v.at[buf].at[j],
                    sem_g,
                ).start()

        def drain(i, buf):
            for j in range(_RB):
                pltpu.make_async_copy(
                    table_hbm.at[idx_v.at[i * _RB + j]],
                    rows_v.at[buf].at[j],
                    sem_g,
                ).wait()

        fire(0, 0)

        def blk(i, carry):
            cur = lax.rem(i, 2)

            @pl.when(i + 1 < nblk)
            def _():
                fire(i + 1, 1 - cur)

            drain(i, cur)
            pltpu.sync_copy(
                rows_v.at[cur], out_hbm.at[pl.ds(xbase + i * _RB, _RB)]
            )
            return carry

        lax.fori_loop(0, nblk, blk, 0)

    return gather_kernel


def kernel(x, table):
    b, h = x.shape
    v, d = table.shape
    return _make_gather(b, h, v, d)(x, table)

# --- scband reference (transcript-rebuilt; emitter-appended) ---
"""Pipeline reference for scband-embedding-model-29515015258446 (READ-ONLY COPY).

The authoritative reference and input builder live on the scoring server;
editing this copy changes nothing except your own understanding.
"""

import jax, jax.numpy as jnp
import numpy as np

VOCAB = 1000000
EMBED_DIM = 32
BATCH = 16384
HIST = 50


def setup_inputs(seed: int = 0) -> dict:
    key = jax.random.key(seed)
    k_idx, k_tab = jax.random.split(key)
    x = jax.random.randint(k_idx, (BATCH, HIST), 0, VOCAB, dtype=jnp.int64 if jax.config.jax_enable_x64 else jnp.int32)
    # nn.Embedding default init: N(0, 1)
    table = jax.random.normal(k_tab, (VOCAB, EMBED_DIM), dtype=jnp.float32)
    return {"x": x, "table": table}


def reference(x, table):
    # EmbeddingModel.forward: self.embedding(x)
    return jnp.take(table, x, axis=0)

if __name__ == "__main__":
    import jax
    _d = setup_inputs()
    print(jax.jit(kernel)(*tuple(_d.values())))

</pallas_src>

<mosaic_0001>
#map = affine_map<(d0, d1) -> (0, 0)>
#map1 = affine_map<(d0, d1) -> (0, 0, 0)>
module attributes {stable_mosaic.version = 14 : i64} {
  func.func @gather_kernel(%arg0: i32, %arg1: i32, %arg2: memref<16384x50xi32, #tpu.memory_space<hbm>>, %arg3: memref<1000000x32xf32, #tpu.memory_space<hbm>>, %arg4: memref<16384x50x32xf32, #tpu.memory_space<hbm>>, %arg5: memref<512x50xi32, #tpu.memory_space<vmem>>, %arg6: memref<2x16x50x32xf32, #tpu.memory_space<vmem>>, %arg7: memref<!tpu.dma_semaphore, #tpu.memory_space<semaphore_mem>>) attributes {dimension_semantics = [#tpu.dimension_semantics<core_parallel>, #tpu.dimension_semantics<subcore_parallel>], iteration_bounds = array<i64: 2, 16>, scalar_prefetch = 0 : i64, scratch_operands = 3 : i64, tpu.core_type = #tpu.core_type<sc_vector_subcore>, window_params = [{transform_indices = #map}, {transform_indices = #map}, {transform_indices = #map1}]} {
    %mul3A = arith.constant 2 : i32
    %mul3A_0 = arith.muli %arg1, %mul3A : i32
    %add3A = arith.addi %mul3A_0, %arg0 : i32
    %mul3A_1 = arith.constant 512 : i32
    %mul3A_2 = arith.muli %add3A, %mul3A_1 : i32
    "tpu.region"() ({
      %run_scoped3A = tpu.sem_alloc : memref<!tpu.dma_semaphore, #tpu.memory_space<semaphore_mem>>
      %dma_start3A_295 = arith.constant 0 : i32
      %dma_start3A_296 = tpu.memref_slice %arg2[%mul3A_2, %dma_start3A_295] : memref<16384x50xi32, #tpu.memory_space<hbm>> -> memref<512x50xi32, #tpu.memory_space<hbm>>
      %dma_start3A_297 = arith.constant 0 : i32
      %dma_start3A_298 = tpu.memref_slice %arg2[%mul3A_2, %dma_start3A_297] : memref<16384x50xi32, #tpu.memory_space<hbm>> -> memref<512x50xi32, #tpu.memory_space<hbm>>
      tpu.enqueue_dma source(%dma_start3A_298 : memref<512x50xi32, #tpu.memory_space<hbm>>) target(%arg5 : memref<512x50xi32, #tpu.memory_space<vmem>>) target_semaphore(%run_scoped3A : memref<!tpu.dma_semaphore, #tpu.memory_space<semaphore_mem>>)
      %dma_wait3A = arith.constant 0 : i32
      %dma_wait3A_299 = tpu.memref_slice %arg2[%mul3A_2, %dma_wait3A] : memref<16384x50xi32, #tpu.memory_space<hbm>> -> memref<512x50xi32, #tpu.memory_space<hbm>>
      %dma_wait3A_300 = arith.constant 0 : i32
      %dma_wait3A_301 = tpu.memref_slice %arg2[%mul3A_2, %dma_wait3A_300] : memref<16384x50xi32, #tpu.memory_space<hbm>> -> memref<512x50xi32, #tpu.memory_space<hbm>>
      tpu.wait_dma2 semaphore(%run_scoped3A : memref<!tpu.dma_semaphore, #tpu.memory_space<semaphore_mem>>) src(%dma_wait3A_301 : memref<512x50xi32, #tpu.memory_space<hbm>>) dst(%arg5 : memref<512x50xi32, #tpu.memory_space<vmem>>)
      tpu.yield
    }) : () -> ()
    %dma_start3A = arith.constant 0 : i32
    %dma_start3A_3 = arith.constant 0 : i32
    %dma_start3A_4 = arith.constant 0 : i32
    %dma_start3A_5 = arith.constant 0 : i32
    %dma_start3A_6 = arith.constant 0 : i32
    %dma_start3A_7 = arith.constant 0 : i32
    %dma_start3A_8 = tpu.memref_slice %arg6[%dma_start3A_3, %dma_start3A_5, %dma_start3A_6, %dma_start3A_7] : memref<2x16x50x32xf32, #tpu.memory_space<vmem>> -> memref<1x16x50x32xf32, #tpu.memory_space<vmem>>
    %dma_start3A_9 = tpu.memref_squeeze %dma_start3A_8 : memref<1x16x50x32xf32, #tpu.memory_space<vmem>> -> memref<16x50x32xf32, #tpu.memory_space<vmem>>
    %dma_start3A_10 = arith.constant 0 : i32
    %dma_start3A_11 = arith.constant 0 : i32
    %dma_start3A_12 = tpu.memref_slice %dma_start3A_9[%dma_start3A_4, %dma_start3A_10, %dma_start3A_11] : memref<16x50x32xf32, #tpu.memory_space<vmem>> -> memref<1x50x32xf32, #tpu.memory_space<vmem>>
    %dma_start3A_13 = tpu.memref_squeeze %dma_start3A_12 : memref<1x50x32xf32, #tpu.memory_space<vmem>> -> memref<50x32xf32, #tpu.memory_space<vmem>>
    %dma_start3A_14 = arith.constant 0 : i32
    %dma_start3A_15 = tpu.memref_slice %arg5[%dma_start3A, %dma_start3A_14] : memref<512x50xi32, #tpu.memory_space<vmem>> -> memref<1x50xi32, #tpu.memory_space<vmem>>
    %dma_start3A_16 = tpu.memref_squeeze %dma_start3A_15 : memref<1x50xi32, #tpu.memory_space<vmem>> -> memref<50xi32, #tpu.memory_space<vmem>>
    %dma_start3A_17 = arith.constant 0 : i32
    %dma_start3A_18 = arith.constant 0 : i32
    %dma_start3A_19 = tpu.memref_slice %arg3[%dma_start3A_17, %dma_start3A_18] : memref<1000000x32xf32, #tpu.memory_space<hbm>> -> memref<1000000x32xf32, #tpu.memory_space<hbm>>
    tpu.enqueue_indirect_dma source(%dma_start3A_19 : memref<1000000x32xf32, #tpu.memory_space<hbm>>) target(%dma_start3A_13 : memref<50x32xf32, #tpu.memory_space<vmem>>) offsets(%dma_start3A_16 : memref<50xi32, #tpu.memory_space<vmem>>) semaphore(%arg7 : memref<!tpu.dma_semaphore, #tpu.memory_space<semaphore_mem>>)
    %dma_start3A_20 = arith.constant 1 : i32
    %dma_start3A_21 = arith.constant 0 : i32
    %dma_start3A_22 = arith.constant 1 : i32
    %dma_start3A_23 = arith.constant 0 : i32
    %dma_start3A_24 = arith.constant 0 : i32
    %dma_start3A_25 = arith.constant 0 : i32
    %dma_start3A_26 = tpu.memref_slice %arg6[%dma_start3A_21, %dma_start3A_23, %dma_start3A_24, %dma_start3A_25] : memref<2x16x50x32xf32, #tpu.memory_space<vmem>> -> memref<1x16x50x32xf32, #tpu.memory_space<vmem>>
    %dma_start3A_27 = tpu.memref_squeeze %dma_start3A_26 : memref<1x16x50x32xf32, #tpu.memory_space<vmem>> -> memref<16x50x32xf32, #tpu.memory_space<vmem>>
    %dma_start3A_28 = arith.constant 0 : i32
    %dma_start3A_29 = arith.constant 0 : i32
    %dma_start3A_30 = tpu.memref_slice %dma_start3A_27[%dma_start3A_22, %dma_start3A_28, %dma_start3A_29] : memref<16x50x32xf32, #tpu.memory_space<vmem>> -> memref<1x50x32xf32, #tpu.memory_space<vmem>>
    %dma_start3A_31 = tpu.memref_squeeze %dma_start3A_30 : memref<1x50x32xf32, #tpu.memory_space<vmem>> -> memref<50x32xf32, #tpu.memory_space<vmem>>
    %dma_start3A_32 = arith.constant 0 : i32
    %dma_start3A_33 = tpu.memref_slice %arg5[%dma_start3A_20, %dma_start3A_32] : memref<512x50xi32, #tpu.memory_space<vmem>> -> memref<1x50xi32, #tpu.memory_space<vmem>>
    %dma_start3A_34 = tpu.memref_squeeze %dma_start3A_33 : memref<1x50xi32, #tpu.memory_space<vmem>> -> memref<50xi32, #tpu.memory_space<vmem>>
    %dma_start3A_35 = arith.constant 0 : i32
    %dma_start3A_36 = arith.constant 0 : i32
    %dma_start3A_37 = tpu.memref_slice %arg3[%dma_start3A_35, %dma_start3A_36] : memref<1000000x32xf32, #tpu.memory_space<hbm>> -> memref<1000000x32xf32, #tpu.memory_space<hbm>>
    tpu.enqueue_indirect_dma source(%dma_start3A_37 : memref<1000000x32xf32, #tpu.memory_space<hbm>>) target(%dma_start3A_31 : memref<50x32xf32, #tpu.memory_space<vmem>>) offsets(%dma_start3A_34 : memref<50xi32, #tpu.memory_space<vmem>>) semaphore(%arg7 : memref<!tpu.dma_semaphore, #tpu.memory_space<semaphore_mem>>)
    %dma_start3A_38 = arith.constant 2 : i32
    %dma_start3A_39 = arith.constant 0 : i32
    %dma_start3A_40 = arith.constant 2 : i32
    %dma_start3A_41 = arith.constant 0 : i32
    %dma_start3A_42 = arith.constant 0 : i32
    %dma_start3A_43 = arith.constant 0 : i32
    %dma_start3A_44 = tpu.memref_slice %arg6[%dma_start3A_39, %dma_start3A_41, %dma_start3A_42, %dma_start3A_43] : memref<2x16x50x32xf32, #tpu.memory_space<vmem>> -> memref<1x16x50x32xf32, #tpu.memory_space<vmem>>
    %dma_start3A_45 = tpu.memref_squeeze %dma_start3A_44 : memref<1x16x50x32xf32, #tpu.memory_space<vmem>> -> memref<16x50x32xf32, #tpu.memory_space<vmem>>
    %dma_start3A_46 = arith.constant 0 : i32
    %dma_start3A_47 = arith.constant 0 : i32
    %dma_start3A_48 = tpu.memref_slice %dma_start3A_45[%dma_start3A_40, %dma_start3A_46, %dma_start3A_47] : memref<16x50x32xf32, #tpu.memory_space<vmem>> -> memref<1x50x32xf32, #tpu.memory_space<vmem>>
    %dma_start3A_49 = tpu.memref_squeeze %dma_start3A_48 : memref<1x50x32xf32, #tpu.memory_space<vmem>> -> memref<50x32xf32, #tpu.memory_space<vmem>>
    %dma_start3A_50 = arith.constant 0 : i32
    %dma_start3A_51 = tpu.memref_slice %arg5[%dma_start3A_38, %dma_start3A_50] : memref<512x50xi32, #tpu.memory_space<vmem>> -> memref<1x50xi32, #tpu.memory_space<vmem>>
    %dma_start3A_52 = tpu.memref_squeeze %dma_start3A_51 : memref<1x50xi32, #tpu.memory_space<vmem>> -> memref<50xi32, #tpu.memory_space<vmem>>
    %dma_start3A_53 = arith.constant 0 : i32
    %dma_start3A_54 = arith.constant 0 : i32
    %dma_start3A_55 = tpu.memref_slice %arg3[%dma_start3A_53, %dma_start3A_54] : memref<1000000x32xf32, #tpu.memory_space<hbm>> -> memref<1000000x32xf32, #tpu.memory_space<hbm>>
    tpu.enqueue_indirect_dma source(%dma_start3A_55 : memref<1000000x32xf32, #tpu.memory_space<hbm>>) target(%dma_start3A_49 : memref<50x32xf32, #tpu.memory_space<vmem>>) offsets(%dma_start3A_52 : memref<50xi32, #tpu.memory_space<vmem>>) semaphore(%arg7 : memref<!tpu.dma_semaphore, #tpu.memory_space<semaphore_mem>>)
    %dma_start3A_56 = arith.constant 3 : i32
    %dma_start3A_57 = arith.constant 0 : i32
    %dma_start3A_58 = arith.constant 3 : i32
    %dma_start3A_59 = arith.constant 0 : i32
    %dma_start3A_60 = arith.constant 0 : i32
    %dma_start3A_61 = arith.constant 0 : i32
    %dma_start3A_62 = tpu.memref_slice %arg6[%dma_start3A_57, %dma_start3A_59, %dma_start3A_60, %dma_start3A_61] : memref<2x16x50x32xf32, #tpu.memory_space<vmem>> -> memref<1x16x50x32xf32, #tpu.memory_space<vmem>>
    %dma_start3A_63 = tpu.memref_squeeze %dma_start3A_62 : memref<1x16x50x32xf32, #tpu.memory_space<vmem>> -> memref<16x50x32xf32, #tpu.memory_space<vmem>>
    %dma_start3A_64 = arith.constant 0 : i32
    %dma_start3A_65 = arith.constant 0 : i32
    %dma_start3A_66 = tpu.memref_slice %dma_start3A_63[%dma_start3A_58, %dma_start3A_64, %dma_start3A_65] : memref<16x50x32xf32, #tpu.memory_space<vmem>> -> memref<1x50x32xf32, #tpu.memory_space<vmem>>
    %dma_start3A_67 = tpu.memref_squeeze %dma_start3A_66 : memref<1x50x32xf32, #tpu.memory_space<vmem>> -> memref<50x32xf32, #tpu.memory_space<vmem>>
    %dma_start3A_68 = arith.constant 0 : i32
    %dma_start3A_69 = tpu.memref_slice %arg5[%dma_start3A_56, %dma_start3A_68] : memref<512x50xi32, #tpu.memory_space<vmem>> -> memref<1x50xi32, #tpu.memory_space<vmem>>
    %dma_start3A_70 = tpu.memref_squeeze %dma_start3A_69 : memref<1x50xi32, #tpu.memory_space<vmem>> -> memref<50xi32, #tpu.memory_space<vmem>>
    %dma_start3A_71 = arith.constant 0 : i32
    %dma_start3A_72 = arith.constant 0 : i32
    %dma_start3A_73 = tpu.memref_slice %arg3[%dma_start3A_71, %dma_start3A_72] : memref<1000000x32xf32, #tpu.memory_space<hbm>> -> memref<1000000x32xf32, #tpu.memory_space<hbm>>
    tpu.enqueue_indirect_dma source(%dma_start3A_73 : memref<1000000x32xf32, #tpu.memory_space<hbm>>) target(%dma_start3A_67 : memref<50x32xf32, #tpu.memory_space<vmem>>) offsets(%dma_start3A_70 : memref<50xi32, #tpu.memory_space<vmem>>) semaphore(%arg7 : memref<!tpu.dma_semaphore, #tpu.memory_space<semaphore_mem>>)
    %dma_start3A_74 = arith.constant 4 : i32
    %dma_start3A_75 = arith.constant 0 : i32
    %dma_start3A_76 = arith.constant 4 : i32
    %dma_start3A_77 = arith.constant 0 : i32
    %dma_start3A_78 = arith.constant 0 : i32
    %dma_start3A_79 = arith.constant 0 : i32
    %dma_start3A_80 = tpu.memref_slice %arg6[%dma_start3A_75, %dma_start3A_77, %dma_start3A_78, %dma_start3A_79] : memref<2x16x50x32xf32, #tpu.memory_space<vmem>> -> memref<1x16x50x32xf32, #tpu.memory_space<vmem>>
    %dma_start3A_81 = tpu.memref_squeeze %dma_start3A_80 : memref<1x16x50x32xf32, #tpu.memory_space<vmem>> -> memref<16x50x32xf32, #tpu.memory_space<vmem>>
    %dma_start3A_82 = arith.constant 0 : i32
    %dma_start3A_83 = arith.constant 0 : i32
    %dma_start3A_84 = tpu.memref_slice %dma_start3A_81[%dma_start3A_76, %dma_start3A_82, %dma_start3A_83] : memref<16x50x32xf32, #tpu.memory_space<vmem>> -> memref<1x50x32xf32, #tpu.memory_space<vmem>>
    %dma_start3A_85 = tpu.memref_squeeze %dma_start3A_84 : memref<1x50x32xf32, #tpu.memory_space<vmem>> -> memref<50x32xf32, #tpu.memory_space<vmem>>
    %dma_start3A_86 = arith.constant 0 : i32
    %dma_start3A_87 = tpu.memref_slice %arg5[%dma_start3A_74, %dma_start3A_86] : memref<512x50xi32, #tpu.memory_space<vmem>> -> memref<1x50xi32, #tpu.memory_space<vmem>>
    %dma_start3A_88 = tpu.memref_squeeze %dma_start3A_87 : memref<1x50xi32, #tpu.memory_space<vmem>> -> memref<50xi32, #tpu.memory_space<vmem>>
    %dma_start3A_89 = arith.constant 0 : i32
    %dma_start3A_90 = arith.constant 0 : i32
    %dma_start3A_91 = tpu.memref_slice %arg3[%dma_start3A_89, %dma_start3A_90] : memref<1000000x32xf32, #tpu.memory_space<hbm>> -> memref<1000000x32xf32, #tpu.memory_space<hbm>>
    tpu.enqueue_indirect_dma source(%dma_start3A_91 : memref<1000000x32xf32, #tpu.memory_space<hbm>>) target(%dma_start3A_85 : memref<50x32xf32, #tpu.memory_space<vmem>>) offsets(%dma_start3A_88 : memref<50xi32, #tpu.memory_space<vmem>>) semaphore(%arg7 : memref<!tpu.dma_semaphore, #tpu.memory_space<semaphore_mem>>)
    %dma_start3A_92 = arith.constant 5 : i32
    %dma_start3A_93 = arith.constant 0 : i32
    %dma_start3A_94 = arith.constant 5 : i32
    %dma_start3A_95 = arith.constant 0 : i32
    %dma_start3A_96 = arith.constant 0 : i32
    %dma_start3A_97 = arith.constant 0 : i32
    %dma_start3A_98 = tpu.memref_slice %arg6[%dma_start3A_93, %dma_start3A_95, %dma_start3A_96, %dma_start3A_97] : memref<2x16x50x32xf32, #tpu.memory_space<vmem>> -> memref<1x16x50x32xf32, #tpu.memory_space<vmem>>
    %dma_start3A_99 = tpu.memref_squeeze %dma_start3A_98 : memref<1x16x50x32xf32, #tpu.memory_space<vmem>> -> memref<16x50x32xf32, #tpu.memory_space<vmem>>
    %dma_start3A_100 = arith.constant 0 : i32
    %dma_start3A_101 = arith.constant 0 : i32
    %dma_start3A_102 = tpu.memref_slice %dma_start3A_99[%dma_start3A_94, %dma_start3A_100, %dma_start3A_101] : memref<16x50x32xf32, #tpu.memory_space<vmem>> -> memref<1x50x32xf32, #tpu.memory_space<vmem>>
    %dma_start3A_103 = tpu.memref_squeeze %dma_start3A_102 : memref<1x50x32xf32, #tpu.memory_space<vmem>> -> memref<50x32xf32, #tpu.memory_space<vmem>>
    %dma_start3A_104 = arith.constant 0 : i32
    %dma_start3A_105 = tpu.memref_slice %arg5[%dma_start3A_92, %dma_start3A_104] : memref<512x50xi32, #tpu.memory_space<vmem>> -> memref<1x50xi32, #tpu.memory_space<vmem>>
    %dma_start3A_106 = tpu.memref_squeeze %dma_start3A_105 : memref<1x50xi32, #tpu.memory_space<vmem>> -> memref<50xi32, #tpu.memory_space<vmem>>
    %dma_start3A_107 = arith.constant 0 : i32
    %dma_start3A_108 = arith.constant 0 : i32
    %dma_start3A_109 = tpu.memref_slice %arg3[%dma_start3A_107, %dma_start3A_108] : memref<1000000x32xf32, #tpu.memory_space<hbm>> -> memref<1000000x32xf32, #tpu.memory_space<hbm>>
    tpu.enqueue_indirect_dma source(%dma_start3A_109 : memref<1000000x32xf32, #tpu.memory_space<hbm>>) target(%dma_start3A_103 : memref<50x32xf32, #tpu.memory_space<vmem>>) offsets(%dma_start3A_106 : memref<50xi32, #tpu.memory_space<vmem>>) semaphore(%arg7 : memref<!tpu.dma_semaphore, #tpu.memory_space<semaphore_mem>>)
    %dma_start3A_110 = arith.constant 6 : i32
    %dma_start3A_111 = arith.constant 0 : i32
    %dma_start3A_112 = arith.constant 6 : i32
    %dma_start3A_113 = arith.constant 0 : i32
    %dma_start3A_114 = arith.constant 0 : i32
    %dma_start3A_115 = arith.constant 0 : i32
    %dma_start3A_116 = tpu.memref_slice %arg6[%dma_start3A_111, %dma_start3A_113, %dma_start3A_114, %dma_start3A_115] : memref<2x16x50x32xf32, #tpu.memory_space<vmem>> -> memref<1x16x50x32xf32, #tpu.memory_space<vmem>>
    %dma_start3A_117 = tpu.memref_squeeze %dma_start3A_116 : memref<1x16x50x32xf32, #tpu.memory_space<vmem>> -> memref<16x50x32xf32, #tpu.memory_space<vmem>>
    %dma_start3A_118 = arith.constant 0 : i32
    %dma_start3A_119 = arith.constant 0 : i32
    %dma_start3A_120 = tpu.memref_slice %dma_start3A_117[%dma_start3A_112, %dma_start3A_118, %dma_start3A_119] : memref<16x50x32xf32, #tpu.memory_space<vmem>> -> memref<1x50x32xf32, #tpu.memory_space<vmem>>
    %dma_start3A_121 = tpu.memref_squeeze %dma_start3A_120 : memref<1x50x32xf32, #tpu.memory_space<vmem>> -> memref<50x32xf32, #tpu.memory_space<vmem>>
    %dma_start3A_122 = arith.constant 0 : i32
    %dma_start3A_123 = tpu.memref_slice %arg5[%dma_start3A_110, %dma_start3A_122] : memref<512x50xi32, #tpu.memory_space<vmem>> -> memref<1x50xi32, #tpu.memory_space<vmem>>
    %dma_start3A_124 = tpu.memref_squeeze %dma_start3A_123 : memref<1x50xi32, #tpu.memory_space<vmem>> -> memref<50xi32, #tpu.memory_space<vmem>>
    %dma_start3A_125 = arith.constant 0 : i32
    %dma_start3A_126 = arith.constant 0 : i32
    %dma_start3A_127 = tpu.memref_slice %arg3[%dma_start3A_125, %dma_start3A_126] : memref<1000000x32xf32, #tpu.memory_space<hbm>> -> memref<1000000x32xf32, #tpu.memory_space<hbm>>
    tpu.enqueue_indirect_dma source(%dma_start3A_127 : memref<1000000x32xf32, #tpu.memory_space<hbm>>) target(%dma_start3A_121 : memref<50x32xf32, #tpu.memory_space<vmem>>) offsets(%dma_start3A_124 : memref<50xi32, #tpu.memory_space<vmem>>) semaphore(%arg7 : memref<!tpu.dma_semaphore, #tpu.memory_space<semaphore_mem>>)
    %dma_start3A_128 = arith.constant 7 : i32
    %dma_start3A_129 = arith.constant 0 : i32
    %dma_start3A_130 = arith.constant 7 : i32
    %dma_start3A_131 = arith.constant 0 : i32
    %dma_start3A_132 = arith.constant 0 : i32
    %dma_start3A_133 = arith.constant 0 : i32
    %dma_start3A_134 = tpu.memref_slice %arg6[%dma_start3A_129, %dma_start3A_131, %dma_start3A_132, %dma_start3A_133] : memref<2x16x50x32xf32, #tpu.memory_space<vmem>> -> memref<1x16x50x32xf32, #tpu.memory_space<vmem>>
    %dma_start3A_135 = tpu.memref_squeeze %dma_start3A_134 : memref<1x16x50x32xf32, #tpu.memory_space<vmem>> -> memref<16x50x32xf32, #tpu.memory_space<vmem>>
    %dma_start3A_136 = arith.constant 0 : i32
    %dma_start3A_137 = arith.constant 0 : i32
    %dma_start3A_138 = tpu.memref_slice %dma_start3A_135[%dma_start3A_130, %dma_start3A_136, %dma_start3A_137] : memref<16x50x32xf32, #tpu.memory_space<vmem>> -> memref<1x50x32xf32, #tpu.memory_space<vmem>>
    %dma_start3A_139 = tpu.memref_squeeze %dma_start3A_138 : memref<1x50x32xf32, #tpu.memory_space<vmem>> -> memref<50x32xf32, #tpu.memory_space<vmem>>
    %dma_start3A_140 = arith.constant 0 : i32
    %dma_start3A_141 = tpu.memref_slice %arg5[%dma_start3A_128, %dma_start3A_140] : memref<512x50xi32, #tpu.memory_space<vmem>> -> memref<1x50xi32, #tpu.memory_space<vmem>>
    %dma_start3A_142 = tpu.memref_squeeze %dma_start3A_141 : memref<1x50xi32, #tpu.memory_space<vmem>> -> memref<50xi32, #tpu.memory_space<vmem>>
    %dma_start3A_143 = arith.constant 0 : i32
    %dma_start3A_144 = arith.constant 0 : i32
    %dma_start3A_145 = tpu.memref_slice %arg3[%dma_start3A_143, %dma_start3A_144] : memref<1000000x32xf32, #tpu.memory_space<hbm>> -> memref<1000000x32xf32, #tpu.memory_space<hbm>>
    tpu.enqueue_indirect_dma source(%dma_start3A_145 : memref<1000000x32xf32, #tpu.memory_space<hbm>>) target(%dma_start3A_139 : memref<50x32xf32, #tpu.memory_space<vmem>>) offsets(%dma_start3A_142 : memref<50xi32, #tpu.memory_space<vmem>>) semaphore(%arg7 : memref<!tpu.dma_semaphore, #tpu.memory_space<semaphore_mem>>)
    %dma_start3A_146 = arith.constant 8 : i32
    %dma_start3A_147 = arith.constant 0 : i32
    %dma_start3A_148 = arith.constant 8 : i32
    %dma_start3A_149 = arith.constant 0 : i32
    %dma_start3A_150 = arith.constant 0 : i32
    %dma_start3A_151 = arith.constant 0 : i32
    %dma_start3A_152 = tpu.memref_slice %arg6[%dma_start3A_147, %dma_start3A_149, %dma_start3A_150, %dma_start3A_151] : memref<2x16x50x32xf32, #tpu.memory_space<vmem>> -> memref<1x16x50x32xf32, #tpu.memory_space<vmem>>
    %dma_start3A_153 = tpu.memref_squeeze %dma_start3A_152 : memref<1x16x50x32xf32, #tpu.memory_space<vmem>> -> memref<16x50x32xf32, #tpu.memory_space<vmem>>
    %dma_start3A_154 = arith.constant 0 : i32
    %dma_start3A_155 = arith.constant 0 : i32
    %dma_start3A_156 = tpu.memref_slice %dma_start3A_153[%dma_start3A_148, %dma_start3A_154, %dma_start3A_155] : memref<16x50x32xf32, #tpu.memory_space<vmem>> -> memref<1x50x32xf32, #tpu.memory_space<vmem>>
    %dma_start3A_157 = tpu.memref_squeeze %dma_start3A_156 : memref<1x50x32xf32, #tpu.memory_space<vmem>> -> memref<50x32xf32, #tpu.memory_space<vmem>>
    %dma_start3A_158 = arith.constant 0 : i32
    %dma_start3A_159 = tpu.memref_slice %arg5[%dma_start3A_146, %dma_start3A_158] : memref<512x50xi32, #tpu.memory_space<vmem>> -> memref<1x50xi32, #tpu.memory_space<vmem>>
    %dma_start3A_160 = tpu.memref_squeeze %dma_start3A_159 : memref<1x50xi32, #tpu.memory_space<vmem>> -> memref<50xi32, #tpu.memory_space<vmem>>
    %dma_start3A_161 = arith.constant 0 : i32
    %dma_start3A_162 = arith.constant 0 : i32
    %dma_start3A_163 = tpu.memref_slice %arg3[%dma_start3A_161, %dma_start3A_162] : memref<1000000x32xf32, #tpu.memory_space<hbm>> -> memref<1000000x32xf32, #tpu.memory_space<hbm>>
    tpu.enqueue_indirect_dma source(%dma_start3A_163 : memref<1000000x32xf32, #tpu.memory_space<hbm>>) target(%dma_start3A_157 : memref<50x32xf32, #tpu.memory_space<vmem>>) offsets(%dma_start3A_160 : memref<50xi32, #tpu.memory_space<vmem>>) semaphore(%arg7 : memref<!tpu.dma_semaphore, #tpu.memory_space<semaphore_mem>>)
    %dma_start3A_164 = arith.constant 9 : i32
    %dma_start3A_165 = arith.constant 0 : i32
    %dma_start3A_166 = arith.constant 9 : i32
    %dma_start3A_167 = arith.constant 0 : i32
    %dma_start3A_168 = arith.constant 0 : i32
    %dma_start3A_169 = arith.constant 0 : i32
    %dma_start3A_170 = tpu.memref_slice %arg6[%dma_start3A_165, %dma_start3A_167, %dma_start3A_168, %dma_start3A_169] : memref<2x16x50x32xf32, #tpu.memory_space<vmem>> -> memref<1x16x50x32xf32, #tpu.memory_space<vmem>>
    %dma_start3A_171 = tpu.memref_squeeze %dma_start3A_170 : memref<1x16x50x32xf32, #tpu.memory_space<vmem>> -> memref<16x50x32xf32, #tpu.memory_space<vmem>>
    %dma_start3A_172 = arith.constant 0 : i32
    %dma_start3A_173 = arith.constant 0 : i32
    %dma_start3A_174 = tpu.memref_slice %dma_start3A_171[%dma_start3A_166, %dma_start3A_172, %dma_start3A_173] : memref<16x50x32xf32, #tpu.memory_space<vmem>> -> memref<1x50x32xf32, #tpu.memory_space<vmem>>
    %dma_start3A_175 = tpu.memref_squeeze %dma_start3A_174 : memref<1x50x32xf32, #tpu.memory_space<vmem>> -> memref<50x32xf32, #tpu.memory_space<vmem>>
    %dma_start3A_176 = arith.constant 0 : i32
    %dma_start3A_177 = tpu.memref_slice %arg5[%dma_start3A_164, %dma_start3A_176] : memref<512x50xi32, #tpu.memory_space<vmem>> -> memref<1x50xi32, #tpu.memory_space<vmem>>
    %dma_start3A_178 = tpu.memref_squeeze %dma_start3A_177 : memref<1x50xi32, #tpu.memory_space<vmem>> -> memref<50xi32, #tpu.memory_space<vmem>>
    %dma_start3A_179 = arith.constant 0 : i32
    %dma_start3A_180 = arith.constant 0 : i32
    %dma_start3A_181 = tpu.memref_slice %arg3[%dma_start3A_179, %dma_start3A_180] : memref<1000000x32xf32, #tpu.memory_space<hbm>> -> memref<1000000x32xf32, #tpu.memory_space<hbm>>
    tpu.enqueue_indirect_dma source(%dma_start3A_181 : memref<1000000x32xf32, #tpu.memory_space<hbm>>) target(%dma_start3A_175 : memref<50x32xf32, #tpu.memory_space<vmem>>) offsets(%dma_start3A_178 : memref<50xi32, #tpu.memory_space<vmem>>) semaphore(%arg7 : memref<!tpu.dma_semaphore, #tpu.memory_space<semaphore_mem>>)
    %dma_start3A_182 = arith.constant 10 : i32
    %dma_start3A_183 = arith.constant 0 : i32
    %dma_start3A_184 = arith.constant 10 : i32
    %dma_start3A_185 = arith.constant 0 : i32
    %dma_start3A_186 = arith.constant 0 : i32
    %dma_start3A_187 = arith.constant 0 : i32
    %dma_start3A_188 = tpu.memref_slice %arg6[%dma_start3A_183, %dma_start3A_185, %dma_start3A_186, %dma_start3A_187] : memref<2x16x50x32xf32, #tpu.memory_space<vmem>> -> memref<1x16x50x32xf32, #tpu.memory_space<vmem>>
    %dma_start3A_189 = tpu.memref_squeeze %dma_start3A_188 : memref<1x16x50x32xf32, #tpu.memory_space<vmem>> -> memref<16x50x32xf32, #tpu.memory_space<vmem>>
    %dma_start3A_190 = arith.constant 0 : i32
    %dma_start3A_191 = arith.constant 0 : i32
    %dma_start3A_192 = tpu.memref_slice %dma_start3A_189[%dma_start3A_184, %dma_start3A_190, %dma_start3A_191] : memref<16x50x32xf32, #tpu.memory_space<vmem>> -> memref<1x50x32xf32, #tpu.memory_space<vmem>>
    %dma_start3A_193 = tpu.memref_squeeze %dma_start3A_192 : memref<1x50x32xf32, #tpu.memory_space<vmem>> -> memref<50x32xf32, #tpu.memory_space<vmem>>
    %dma_start3A_194 = arith.constant 0 : i32
    %dma_start3A_195 = tpu.memref_slice %arg5[%dma_start3A_182, %dma_start3A_194] : memref<512x50xi32, #tpu.memory_space<vmem>> -> memref<1x50xi32, #tpu.memory_space<vmem>>
    %dma_start3A_196 = tpu.memref_squeeze %dma_start3A_195 : memref<1x50xi32, #tpu.memory_space<vmem>> -> memref<50xi32, #tpu.memory_space<vmem>>
    %dma_start3A_197 = arith.constant 0 : i32
    %dma_start3A_198 = arith.constant 0 : i32
    %dma_start3A_199 = tpu.memref_slice %arg3[%dma_start3A_197, %dma_start3A_198] : memref<1000000x32xf32, #tpu.memory_space<hbm>> -> memref<1000000x32xf32, #tpu.memory_space<hbm>>
    tpu.enqueue_indirect_dma source(%dma_start3A_199 : memref<1000000x32xf32, #tpu.memory_space<hbm>>) target(%dma_start3A_193 : memref<50x32xf32, #tpu.memory_space<vmem>>) offsets(%dma_start3A_196 : memref<50xi32, #tpu.memory_space<vmem>>) semaphore(%arg7 : memref<!tpu.dma_semaphore, #tpu.memory_space<semaphore_mem>>)
    %dma_start3A_200 = arith.constant 11 : i32
    %dma_start3A_201 = arith.constant 0 : i32
    %dma_start3A_202 = arith.constant 11 : i32
    %dma_start3A_203 = arith.constant 0 : i32
    %dma_start3A_204 = arith.constant 0 : i32
    %dma_start3A_205 = arith.constant 0 : i32
    %dma_start3A_206 = tpu.memref_slice %arg6[%dma_start3A_201, %dma_start3A_203, %dma_start3A_204, %dma_start3A_205] : memref<2x16x50x32xf32, #tpu.memory_space<vmem>> -> memref<1x16x50x32xf32, #tpu.memory_space<vmem>>
    %dma_start3A_207 = tpu.memref_squeeze %dma_start3A_206 : memref<1x16x50x32xf32, #tpu.memory_space<vmem>> -> memref<16x50x32xf32, #tpu.memory_space<vmem>>
    %dma_start3A_208 = arith.constant 0 : i32
    %dma_start3A_209 = arith.constant 0 : i32
    %dma_start3A_210 = tpu.memref_slice %dma_start3A_207[%dma_start3A_202, %dma_start3A_208, %dma_start3A_209] : memref<16x50x32xf32, #tpu.memory_space<vmem>> -> memref<1x50x32xf32, #tpu.memory_space<vmem>>
    %dma_start3A_211 = tpu.memref_squeeze %dma_start3A_210 : memref<1x50x32xf32, #tpu.memory_space<vmem>> -> memref<50x32xf32, #tpu.memory_space<vmem>>
    %dma_start3A_212 = arith.constant 0 : i32
    %dma_start3A_213 = tpu.memref_slice %arg5[%dma_start3A_200, %dma_start3A_212] : memref<512x50xi32, #tpu.memory_space<vmem>> -> memref<1x50xi32, #tpu.memory_space<vmem>>
    %dma_start3A_214 = tpu.memref_squeeze %dma_start3A_213 : memref<1x50xi32, #tpu.memory_space<vmem>> -> memref<50xi32, #tpu.memory_space<vmem>>
    %dma_start3A_215 = arith.constant 0 : i32
    %dma_start3A_216 = arith.constant 0 : i32
    %dma_start3A_217 = tpu.memref_slice %arg3[%dma_start3A_215, %dma_start3A_216] : memref<1000000x32xf32, #tpu.memory_space<hbm>> -> memref<1000000x32xf32, #tpu.memory_space<hbm>>
    tpu.enqueue_indirect_dma source(%dma_start3A_217 : memref<1000000x32xf32, #tpu.memory_space<hbm>>) target(%dma_start3A_211 : memref<50x32xf32, #tpu.memory_space<vmem>>) offsets(%dma_start3A_214 : memref<50xi32, #tpu.memory_space<vmem>>) semaphore(%arg7 : memref<!tpu.dma_semaphore, #tpu.memory_space<semaphore_mem>>)
    %dma_start3A_218 = arith.constant 12 : i32
    %dma_start3A_219 = arith.constant 0 : i32
    %dma_start3A_220 = arith.constant 12 : i32
    %dma_start3A_221 = arith.constant 0 : i32
    %dma_start3A_222 = arith.constant 0 : i32
    %dma_start3A_223 = arith.constant 0 : i32
    %dma_start3A_224 = tpu.memref_slice %arg6[%dma_start3A_219, %dma_start3A_221, %dma_start3A_222, %dma_start3A_223] : memref<2x16x50x32xf32, #tpu.memory_space<vmem>> -> memref<1x16x50x32xf32, #tpu.memory_space<vmem>>
    %dma_start3A_225 = tpu.memref_squeeze %dma_start3A_224 : memref<1x16x50x32xf32, #tpu.memory_space<vmem>> -> memref<16x50x32xf32, #tpu.memory_space<vmem>>
    %dma_start3A_226 = arith.constant 0 : i32
    %dma_start3A_227 = arith.constant 0 : i32
    %dma_start3A_228 = tpu.memref_slice %dma_start3A_225[%dma_start3A_220, %dma_start3A_226, %dma_start3A_227] : memref<16x50x32xf32, #tpu.memory_space<vmem>> -> memref<1x50x32xf32, #tpu.memory_space<vmem>>
    %dma_start3A_229 = tpu.memref_squeeze %dma_start3A_228 : memref<1x50x32xf32, #tpu.memory_space<vmem>> -> memref<50x32xf32, #tpu.memory_space<vmem>>
    %dma_start3A_230 = arith.constant 0 : i32
    %dma_start3A_231 = tpu.memref_slice %arg5[%dma_start3A_218, %dma_start3A_230] : memref<512x50xi32, #tpu.memory_space<vmem>> -> memref<1x50xi32, #tpu.memory_space<vmem>>
    %dma_start3A_232 = tpu.memref_squeeze %dma_start3A_231 : memref<1x50xi32, #tpu.memory_space<vmem>> -> memref<50xi32, #tpu.memory_space<vmem>>
    %dma_start3A_233 = arith.constant 0 : i32
    %dma_start3A_234 = arith.constant 0 : i32
    %dma_start3A_235 = tpu.memref_slice %arg3[%dma_start3A_233, %dma_start3A_234] : memref<1000000x32xf32, #tpu.memory_space<hbm>> -> memref<1000000x32xf32, #tpu.memory_space<hbm>>
    tpu.enqueue_indirect_dma source(%dma_start3A_235 : memref<1000000x32xf32, #tpu.memory_space<hbm>>) target(%dma_start3A_229 : memref<50x32xf32, #tpu.memory_space<vmem>>) offsets(%dma_start3A_232 : memref<50xi32, #tpu.memory_space<vmem>>) semaphore(%arg7 : memref<!tpu.dma_semaphore, #tpu.memory_space<semaphore_mem>>)
    %dma_start3A_236 = arith.constant 13 : i32
    %dma_start3A_237 = arith.constant 0 : i32
    %dma_start3A_238 = arith.constant 13 : i32
    %dma_start3A_239 = arith.constant 0 : i32
    %dma_start3A_240 = arith.constant 0 : i32
    %dma_start3A_241 = arith.constant 0 : i32
    %dma_start3A_242 = tpu.memref_slice %arg6[%dma_start3A_237, %dma_start3A_239, %dma_start3A_240, %dma_start3A_241] : memref<2x16x50x32xf32, #tpu.memory_space<vmem>> -> memref<1x16x50x32xf32, #tpu.memory_space<vmem>>
    %dma_start3A_243 = tpu.memref_squeeze %dma_start3A_242 : memref<1x16x50x32xf32, #tpu.memory_space<vmem>> -> memref<16x50x32xf32, #tpu.memory_space<vmem>>
    %dma_start3A_244 = arith.constant 0 : i32
    %dma_start3A_245 = arith.constant 0 : i32
    %dma_start3A_246 = tpu.memref_slice %dma_start3A_243[%dma_start3A_238, %dma_start3A_244, %dma_start3A_245] : memref<16x50x32xf32, #tpu.memory_space<vmem>> -> memref<1x50x32xf32, #tpu.memory_space<vmem>>
    %dma_start3A_247 = tpu.memref_squeeze %dma_start3A_246 : memref<1x50x32xf32, #tpu.memory_space<vmem>> -> memref<50x32xf32, #tpu.memory_space<vmem>>
    %dma_start3A_248 = arith.constant 0 : i32
    %dma_start3A_249 = tpu.memref_slice %arg5[%dma_start3A_236, %dma_start3A_248] : memref<512x50xi32, #tpu.memory_space<vmem>> -> memref<1x50xi32, #tpu.memory_space<vmem>>
    %dma_start3A_250 = tpu.memref_squeeze %dma_start3A_249 : memref<1x50xi32, #tpu.memory_space<vmem>> -> memref<50xi32, #tpu.memory_space<vmem>>
    %dma_start3A_251 = arith.constant 0 : i32
    %dma_start3A_252 = arith.constant 0 : i32
    %dma_start3A_253 = tpu.memref_slice %arg3[%dma_start3A_251, %dma_start3A_252] : memref<1000000x32xf32, #tpu.memory_space<hbm>> -> memref<1000000x32xf32, #tpu.memory_space<hbm>>
    tpu.enqueue_indirect_dma source(%dma_start3A_253 : memref<1000000x32xf32, #tpu.memory_space<hbm>>) target(%dma_start3A_247 : memref<50x32xf32, #tpu.memory_space<vmem>>) offsets(%dma_start3A_250 : memref<50xi32, #tpu.memory_space<vmem>>) semaphore(%arg7 : memref<!tpu.dma_semaphore, #tpu.memory_space<semaphore_mem>>)
    %dma_start3A_254 = arith.constant 14 : i32
    %dma_start3A_255 = arith.constant 0 : i32
    %dma_start3A_256 = arith.constant 14 : i32
    %dma_start3A_257 = arith.constant 0 : i32
    %dma_start3A_258 = arith.constant 0 : i32
    %dma_start3A_259 = arith.constant 0 : i32
    %dma_start3A_260 = tpu.memref_slice %arg6[%dma_start3A_255, %dma_start3A_257, %dma_start3A_258, %dma_start3A_259] : memref<2x16x50x32xf32, #tpu.memory_space<vmem>> -> memref<1x16x50x32xf32, #tpu.memory_space<vmem>>
    %dma_start3A_261 = tpu.memref_squeeze %dma_start3A_260 : memref<1x16x50x32xf32, #tpu.memory_space<vmem>> -> memref<16x50x32xf32, #tpu.memory_space<vmem>>
    %dma_start3A_262 = arith.constant 0 : i32
    %dma_start3A_263 = arith.constant 0 : i32
    %dma_start3A_264 = tpu.memref_slice %dma_start3A_261[%dma_start3A_256, %dma_start3A_262, %dma_start3A_263] : memref<16x50x32xf32, #tpu.memory_space<vmem>> -> memref<1x50x32xf32, #tpu.memory_space<vmem>>
    %dma_start3A_265 = tpu.memref_squeeze %dma_start3A_264 : memref<1x50x32xf32, #tpu.memory_space<vmem>> -> memref<50x32xf32, #tpu.memory_space<vmem>>
    %dma_start3A_266 = arith.constant 0 : i32
    %dma_start3A_267 = tpu.memref_slice %arg5[%dma_start3A_254, %dma_start3A_266] : memref<512x50xi32, #tpu.memory_space<vmem>> -> memref<1x50xi32, #tpu.memory_space<vmem>>
    %dma_start3A_268 = tpu.memref_squeeze %dma_start3A_267 : memref<1x50xi32, #tpu.memory_space<vmem>> -> memref<50xi32, #tpu.memory_space<vmem>>
    %dma_start3A_269 = arith.constant 0 : i32
    %dma_start3A_270 = arith.constant 0 : i32
    %dma_start3A_271 = tpu.memref_slice %arg3[%dma_start3A_269, %dma_start3A_270] : memref<1000000x32xf32, #tpu.memory_space<hbm>> -> memref<1000000x32xf32, #tpu.memory_space<hbm>>
    tpu.enqueue_indirect_dma source(%dma_start3A_271 : memref<1000000x32xf32, #tpu.memory_space<hbm>>) target(%dma_start3A_265 : memref<50x32xf32, #tpu.memory_space<vmem>>) offsets(%dma_start3A_268 : memref<50xi32, #tpu.memory_space<vmem>>) semaphore(%arg7 : memref<!tpu.dma_semaphore, #tpu.memory_space<semaphore_mem>>)
    %dma_start3A_272 = arith.constant 15 : i32
    %dma_start3A_273 = arith.constant 0 : i32
    %dma_start3A_274 = arith.constant 15 : i32
    %dma_start3A_275 = arith.constant 0 : i32
    %dma_start3A_276 = arith.constant 0 : i32
    %dma_start3A_277 = arith.constant 0 : i32
    %dma_start3A_278 = tpu.memref_slice %arg6[%dma_start3A_273, %dma_start3A_275, %dma_start3A_276, %dma_start3A_277] : memref<2x16x50x32xf32, #tpu.memory_space<vmem>> -> memref<1x16x50x32xf32, #tpu.memory_space<vmem>>
    %dma_start3A_279 = tpu.memref_squeeze %dma_start3A_278 : memref<1x16x50x32xf32, #tpu.memory_space<vmem>> -> memref<16x50x32xf32, #tpu.memory_space<vmem>>
    %dma_start3A_280 = arith.constant 0 : i32
    %dma_start3A_281 = arith.constant 0 : i32
    %dma_start3A_282 = tpu.memref_slice %dma_start3A_279[%dma_start3A_274, %dma_start3A_280, %dma_start3A_281] : memref<16x50x32xf32, #tpu.memory_space<vmem>> -> memref<1x50x32xf32, #tpu.memory_space<vmem>>
    %dma_start3A_283 = tpu.memref_squeeze %dma_start3A_282 : memref<1x50x32xf32, #tpu.memory_space<vmem>> -> memref<50x32xf32, #tpu.memory_space<vmem>>
    %dma_start3A_284 = arith.constant 0 : i32
    %dma_start3A_285 = tpu.memref_slice %arg5[%dma_start3A_272, %dma_start3A_284] : memref<512x50xi32, #tpu.memory_space<vmem>> -> memref<1x50xi32, #tpu.memory_space<vmem>>
    %dma_start3A_286 = tpu.memref_squeeze %dma_start3A_285 : memref<1x50xi32, #tpu.memory_space<vmem>> -> memref<50xi32, #tpu.memory_space<vmem>>
    %dma_start3A_287 = arith.constant 0 : i32
    %dma_start3A_288 = arith.constant 0 : i32
    %dma_start3A_289 = tpu.memref_slice %arg3[%dma_start3A_287, %dma_start3A_288] : memref<1000000x32xf32, #tpu.memory_space<hbm>> -> memref<1000000x32xf32, #tpu.memory_space<hbm>>
    tpu.enqueue_indirect_dma source(%dma_start3A_289 : memref<1000000x32xf32, #tpu.memory_space<hbm>>) target(%dma_start3A_283 : memref<50x32xf32, #tpu.memory_space<vmem>>) offsets(%dma_start3A_286 : memref<50xi32, #tpu.memory_space<vmem>>) semaphore(%arg7 : memref<!tpu.dma_semaphore, #tpu.memory_space<semaphore_mem>>)
    %scan3A = arith.constant 0 : i32
    %scan3A_290 = arith.constant 0 : i32
    %scan3A_291 = arith.constant 32 : i32
    %scan3A_292 = arith.addi %scan3A_290, %scan3A_291 : i32
    %scan3A_293 = arith.constant 1 : i32
    scf.for %scan3A_295 = %scan3A_290 to %scan3A_292 step %scan3A_293  : i32 {
      %rem3A = arith.constant 2 : i32
      %rem3A_296 = arith.remsi %scan3A_295, %rem3A : i32
      %add3A_297 = arith.constant 1 : i32
      %add3A_298 = arith.addi %scan3A_295, %add3A_297 : i32
      %lt3A = arith.constant 32 : i32
      %lt3A_299 = arith.cmpi slt, %add3A_298, %lt3A : i32
      %convert_element_type3A = arith.extui %lt3A_299 : i1 to i32
      %cond3A = arith.constant 0 : i32
      %cond3A_300 = arith.cmpi ne, %convert_element_type3A, %cond3A : i32
      scf.if %cond3A_300 {
        %add3A_623 = arith.constant 1 : i32
        %add3A_624 = arith.addi %scan3A_295, %add3A_623 : i32
        %sub3A = arith.constant 1 : i32
        %sub3A_625 = arith.subi %sub3A, %rem3A_296 : i32
        %mul3A_626 = arith.constant 16 : i32
        %mul3A_627 = arith.muli %add3A_624, %mul3A_626 : i32
        %add3A_628 = arith.constant 0 : i32
        %add3A_629 = arith.addi %mul3A_627, %add3A_628 : i32
        %dma_start3A_630 = arith.constant 0 : i32
        %dma_start3A_631 = arith.constant 0 : i32
        %dma_start3A_632 = arith.constant 0 : i32
        %dma_start3A_633 = arith.constant 0 : i32
        %dma_start3A_634 = tpu.memref_slice %arg6[%sub3A_625, %dma_start3A_631, %dma_start3A_632, %dma_start3A_633] : memref<2x16x50x32xf32, #tpu.memory_space<vmem>> -> memref<1x16x50x32xf32, #tpu.memory_space<vmem>>
        %dma_start3A_635 = tpu.memref_squeeze %dma_start3A_634 : memref<1x16x50x32xf32, #tpu.memory_space<vmem>> -> memref<16x50x32xf32, #tpu.memory_space<vmem>>
        %dma_start3A_636 = arith.constant 0 : i32
        %dma_start3A_637 = arith.constant 0 : i32
        %dma_start3A_638 = tpu.memref_slice %dma_start3A_635[%dma_start3A_630, %dma_start3A_636, %dma_start3A_637] : memref<16x50x32xf32, #tpu.memory_space<vmem>> -> memref<1x50x32xf32, #tpu.memory_space<vmem>>
        %dma_start3A_639 = tpu.memref_squeeze %dma_start3A_638 : memref<1x50x32xf32, #tpu.memory_space<vmem>> -> memref<50x32xf32, #tpu.memory_space<vmem>>
        %dma_start3A_640 = arith.constant 0 : i32
        %dma_start3A_641 = tpu.memref_slice %arg5[%add3A_629, %dma_start3A_640] : memref<512x50xi32, #tpu.memory_space<vmem>> -> memref<1x50xi32, #tpu.memory_space<vmem>>
        %dma_start3A_642 = tpu.memref_squeeze %dma_start3A_641 : memref<1x50xi32, #tpu.memory_space<vmem>> -> memref<50xi32, #tpu.memory_space<vmem>>
        %dma_start3A_643 = arith.constant 0 : i32
        %dma_start3A_644 = arith.constant 0 : i32
        %dma_start3A_645 = tpu.memref_slice %arg3[%dma_start3A_643, %dma_start3A_644] : memref<1000000x32xf32, #tpu.memory_space<hbm>> -> memref<1000000x32xf32, #tpu.memory_space<hbm>>
        tpu.enqueue_indirect_dma source(%dma_start3A_645 : memref<1000000x32xf32, #tpu.memory_space<hbm>>) target(%dma_start3A_639 : memref<50x32xf32, #tpu.memory_space<vmem>>) offsets(%dma_start3A_642 : memref<50xi32, #tpu.memory_space<vmem>>) semaphore(%arg7 : memref<!tpu.dma_semaphore, #tpu.memory_space<semaphore_mem>>)
        %mul3A_646 = arith.constant 16 : i32
        %mul3A_647 = arith.muli %add3A_624, %mul3A_646 : i32
        %add3A_648 = arith.constant 1 : i32
        %add3A_649 = arith.addi %mul3A_647, %add3A_648 : i32
        %dma_start3A_650 = arith.constant 1 : i32
        %dma_start3A_651 = arith.constant 0 : i32
        %dma_start3A_652 = arith.constant 0 : i32
        %dma_start3A_653 = arith.constant 0 : i32
        %dma_start3A_654 = tpu.memref_slice %arg6[%sub3A_625, %dma_start3A_651, %dma_start3A_652, %dma_start3A_653] : memref<2x16x50x32xf32, #tpu.memory_space<vmem>> -> memref<1x16x50x32xf32, #tpu.memory_space<vmem>>
        %dma_start3A_655 = tpu.memref_squeeze %dma_start3A_654 : memref<1x16x50x32xf32, #tpu.memory_space<vmem>> -> memref<16x50x32xf32, #tpu.memory_space<vmem>>
        %dma_start3A_656 = arith.constant 0 : i32
        %dma_start3A_657 = arith.constant 0 : i32
        %dma_start3A_658 = tpu.memref_slice %dma_start3A_655[%dma_start3A_650, %dma_start3A_656, %dma_start3A_657] : memref<16x50x32xf32, #tpu.memory_space<vmem>> -> memref<1x50x32xf32, #tpu.memory_space<vmem>>
        %dma_start3A_659 = tpu.memref_squeeze %dma_start3A_658 : memref<1x50x32xf32, #tpu.memory_space<vmem>> -> memref<50x32xf32, #tpu.memory_space<vmem>>
        %dma_start3A_660 = arith.constant 0 : i32
        %dma_start3A_661 = tpu.memref_slice %arg5[%add3A_649, %dma_start3A_660] : memref<512x50xi32, #tpu.memory_space<vmem>> -> memref<1x50xi32, #tpu.memory_space<vmem>>
        %dma_start3A_662 = tpu.memref_squeeze %dma_start3A_661 : memref<1x50xi32, #tpu.memory_space<vmem>> -> memref<50xi32, #tpu.memory_space<vmem>>
        %dma_start3A_663 = arith.constant 0 : i32
        %dma_start3A_664 = arith.constant 0 : i32
        %dma_start3A_665 = tpu.memref_slice %arg3[%dma_start3A_663, %dma_start3A_664] : memref<1000000x32xf32, #tpu.memory_space<hbm>> -> memref<1000000x32xf32, #tpu.memory_space<hbm>>
        tpu.enqueue_indirect_dma source(%dma_start3A_665 : memref<1000000x32xf32, #tpu.memory_space<hbm>>) target(%dma_start3A_659 : memref<50x32xf32, #tpu.memory_space<vmem>>) offsets(%dma_start3A_662 : memref<50xi32, #tpu.memory_space<vmem>>) semaphore(%arg7 : memref<!tpu.dma_semaphore, #tpu.memory_space<semaphore_mem>>)
        %mul3A_666 = arith.constant 16 : i32
        %mul3A_667 = arith.muli %add3A_624, %mul3A_666 : i32
        %add3A_668 = arith.constant 2 : i32
        %add3A_669 = arith.addi %mul3A_667, %add3A_668 : i32
        %dma_start3A_670 = arith.constant 2 : i32
        %dma_start3A_671 = arith.constant 0 : i32
        %dma_start3A_672 = arith.constant 0 : i32
        %dma_start3A_673 = arith.constant 0 : i32
        %dma_start3A_674 = tpu.memref_slice %arg6[%sub3A_625, %dma_start3A_671, %dma_start3A_672, %dma_start3A_673] : memref<2x16x50x32xf32, #tpu.memory_space<vmem>> -> memref<1x16x50x32xf32, #tpu.memory_space<vmem>>
        %dma_start3A_675 = tpu.memref_squeeze %dma_start3A_674 : memref<1x16x50x32xf32, #tpu.memory_space<vmem>> -> memref<16x50x32xf32, #tpu.memory_space<vmem>>
        %dma_start3A_676 = arith.constant 0 : i32
        %dma_start3A_677 = arith.constant 0 : i32
        %dma_start3A_678 = tpu.memref_slice %dma_start3A_675[%dma_start3A_670, %dma_start3A_676, %dma_start3A_677] : memref<16x50x32xf32, #tpu.memory_space<vmem>> -> memref<1x50x32xf32, #tpu.memory_space<vmem>>
        %dma_start3A_679 = tpu.memref_squeeze %dma_start3A_678 : memref<1x50x32xf32, #tpu.memory_space<vmem>> -> memref<50x32xf32, #tpu.memory_space<vmem>>
        %dma_start3A_680 = arith.constant 0 : i32
        %dma_start3A_681 = tpu.memref_slice %arg5[%add3A_669, %dma_start3A_680] : memref<512x50xi32, #tpu.memory_space<vmem>> -> memref<1x50xi32, #tpu.memory_space<vmem>>
        %dma_start3A_682 = tpu.memref_squeeze %dma_start3A_681 : memref<1x50xi32, #tpu.memory_space<vmem>> -> memref<50xi32, #tpu.memory_space<vmem>>
        %dma_start3A_683 = arith.constant 0 : i32
        %dma_start3A_684 = arith.constant 0 : i32
        %dma_start3A_685 = tpu.memref_slice %arg3[%dma_start3A_683, %dma_start3A_684] : memref<1000000x32xf32, #tpu.memory_space<hbm>> -> memref<1000000x32xf32, #tpu.memory_space<hbm>>
        tpu.enqueue_indirect_dma source(%dma_start3A_685 : memref<1000000x32xf32, #tpu.memory_space<hbm>>) target(%dma_start3A_679 : memref<50x32xf32, #tpu.memory_space<vmem>>) offsets(%dma_start3A_682 : memref<50xi32, #tpu.memory_space<vmem>>) semaphore(%arg7 : memref<!tpu.dma_semaphore, #tpu.memory_space<semaphore_mem>>)
        %mul3A_686 = arith.constant 16 : i32
        %mul3A_687 = arith.muli %add3A_624, %mul3A_686 : i32
        %add3A_688 = arith.constant 3 : i32
        %add3A_689 = arith.addi %mul3A_687, %add3A_688 : i32
        %dma_start3A_690 = arith.constant 3 : i32
        %dma_start3A_691 = arith.constant 0 : i32
        %dma_start3A_692 = arith.constant 0 : i32
        %dma_start3A_693 = arith.constant 0 : i32
        %dma_start3A_694 = tpu.memref_slice %arg6[%sub3A_625, %dma_start3A_691, %dma_start3A_692, %dma_start3A_693] : memref<2x16x50x32xf32, #tpu.memory_space<vmem>> -> memref<1x16x50x32xf32, #tpu.memory_space<vmem>>
        %dma_start3A_695 = tpu.memref_squeeze %dma_start3A_694 : memref<1x16x50x32xf32, #tpu.memory_space<vmem>> -> memref<16x50x32xf32, #tpu.memory_space<vmem>>
        %dma_start3A_696 = arith.constant 0 : i32
        %dma_start3A_697 = arith.constant 0 : i32
        %dma_start3A_698 = tpu.memref_slice %dma_start3A_695[%dma_start3A_690, %dma_start3A_696, %dma_start3A_697] : memref<16x50x32xf32, #tpu.memory_space<vmem>> -> memref<1x50x32xf32, #tpu.memory_space<vmem>>
        %dma_start3A_699 = tpu.memref_squeeze %dma_start3A_698 : memref<1x50x32xf32, #tpu.memory_space<vmem>> -> memref<50x32xf32, #tpu.memory_space<vmem>>
        %dma_start3A_700 = arith.constant 0 : i32
        %dma_start3A_701 = tpu.memref_slice %arg5[%add3A_689, %dma_start3A_700] : memref<512x50xi32, #tpu.memory_space<vmem>> -> memref<1x50xi32, #tpu.memory_space<vmem>>
        %dma_start3A_702 = tpu.memref_squeeze %dma_start3A_701 : memref<1x50xi32, #tpu.memory_space<vmem>> -> memref<50xi32, #tpu.memory_space<vmem>>
        %dma_start3A_703 = arith.constant 0 : i32
        %dma_start3A_704 = arith.constant 0 : i32
        %dma_start3A_705 = tpu.memref_slice %arg3[%dma_start3A_703, %dma_start3A_704] : memref<1000000x32xf32, #tpu.memory_space<hbm>> -> memref<1000000x32xf32, #tpu.memory_space<hbm>>
        tpu.enqueue_indirect_dma source(%dma_start3A_705 : memref<1000000x32xf32, #tpu.memory_space<hbm>>) target(%dma_start3A_699 : memref<50x32xf32, #tpu.memory_space<vmem>>) offsets(%dma_start3A_702 : memref<50xi32, #tpu.memory_space<vmem>>) semaphore(%arg7 : memref<!tpu.dma_semaphore, #tpu.memory_space<semaphore_mem>>)
        %mul3A_706 = arith.constant 16 : i32
        %mul3A_707 = arith.muli %add3A_624, %mul3A_706 : i32
        %add3A_708 = arith.constant 4 : i32
        %add3A_709 = arith.addi %mul3A_707, %add3A_708 : i32
        %dma_start3A_710 = arith.constant 4 : i32
        %dma_start3A_711 = arith.constant 0 : i32
        %dma_start3A_712 = arith.constant 0 : i32
        %dma_start3A_713 = arith.constant 0 : i32
        %dma_start3A_714 = tpu.memref_slice %arg6[%sub3A_625, %dma_start3A_711, %dma_start3A_712, %dma_start3A_713] : memref<2x16x50x32xf32, #tpu.memory_space<vmem>> -> memref<1x16x50x32xf32, #tpu.memory_space<vmem>>
        %dma_start3A_715 = tpu.memref_squeeze %dma_start3A_714 : memref<1x16x50x32xf32, #tpu.memory_space<vmem>> -> memref<16x50x32xf32, #tpu.memory_space<vmem>>
        %dma_start3A_716 = arith.constant 0 : i32
        %dma_start3A_717 = arith.constant 0 : i32
        %dma_start3A_718 = tpu.memref_slice %dma_start3A_715[%dma_start3A_710, %dma_start3A_716, %dma_start3A_717] : memref<16x50x32xf32, #tpu.memory_space<vmem>> -> memref<1x50x32xf32, #tpu.memory_space<vmem>>
        %dma_start3A_719 = tpu.memref_squeeze %dma_start3A_718 : memref<1x50x32xf32, #tpu.memory_space<vmem>> -> memref<50x32xf32, #tpu.memory_space<vmem>>
        %dma_start3A_720 = arith.constant 0 : i32
        %dma_start3A_721 = tpu.memref_slice %arg5[%add3A_709, %dma_start3A_720] : memref<512x50xi32, #tpu.memory_space<vmem>> -> memref<1x50xi32, #tpu.memory_space<vmem>>
        %dma_start3A_722 = tpu.memref_squeeze %dma_start3A_721 : memref<1x50xi32, #tpu.memory_space<vmem>> -> memref<50xi32, #tpu.memory_space<vmem>>
        %dma_start3A_723 = arith.constant 0 : i32
        %dma_start3A_724 = arith.constant 0 : i32
        %dma_start3A_725 = tpu.memref_slice %arg3[%dma_start3A_723, %dma_start3A_724] : memref<1000000x32xf32, #tpu.memory_space<hbm>> -> memref<1000000x32xf32, #tpu.memory_space<hbm>>
        tpu.enqueue_indirect_dma source(%dma_start3A_725 : memref<1000000x32xf32, #tpu.memory_space<hbm>>) target(%dma_start3A_719 : memref<50x32xf32, #tpu.memory_space<vmem>>) offsets(%dma_start3A_722 : memref<50xi32, #tpu.memory_space<vmem>>) semaphore(%arg7 : memref<!tpu.dma_semaphore, #tpu.memory_space<semaphore_mem>>)
        %mul3A_726 = arith.constant 16 : i32
        %mul3A_727 = arith.muli %add3A_624, %mul3A_726 : i32
        %add3A_728 = arith.constant 5 : i32
        %add3A_729 = arith.addi %mul3A_727, %add3A_728 : i32
        %dma_start3A_730 = arith.constant 5 : i32
        %dma_start3A_731 = arith.constant 0 : i32
        %dma_start3A_732 = arith.constant 0 : i32
        %dma_start3A_733 = arith.constant 0 : i32
        %dma_start3A_734 = tpu.memref_slice %arg6[%sub3A_625, %dma_start3A_731, %dma_start3A_732, %dma_start3A_733] : memref<2x16x50x32xf32, #tpu.memory_space<vmem>> -> memref<1x16x50x32xf32, #tpu.memory_space<vmem>>
        %dma_start3A_735 = tpu.memref_squeeze %dma_start3A_734 : memref<1x16x50x32xf32, #tpu.memory_space<vmem>> -> memref<16x50x32xf32, #tpu.memory_space<vmem>>
        %dma_start3A_736 = arith.constant 0 : i32
        %dma_start3A_737 = arith.constant 0 : i32
        %dma_start3A_738 = tpu.memref_slice %dma_start3A_735[%dma_start3A_730, %dma_start3A_736, %dma_start3A_737] : memref<16x50x32xf32, #tpu.memory_space<vmem>> -> memref<1x50x32xf32, #tpu.memory_space<vmem>>
        %dma_start3A_739 = tpu.memref_squeeze %dma_start3A_738 : memref<1x50x32xf32, #tpu.memory_space<vmem>> -> memref<50x32xf32, #tpu.memory_space<vmem>>
        %dma_start3A_740 = arith.constant 0 : i32
        %dma_start3A_741 = tpu.memref_slice %arg5[%add3A_729, %dma_start3A_740] : memref<512x50xi32, #tpu.memory_space<vmem>> -> memref<1x50xi32, #tpu.memory_space<vmem>>
        %dma_start3A_742 = tpu.memref_squeeze %dma_start3A_741 : memref<1x50xi32, #tpu.memory_space<vmem>> -> memref<50xi32, #tpu.memory_space<vmem>>
        %dma_start3A_743 = arith.constant 0 : i32
        %dma_start3A_744 = arith.constant 0 : i32
        %dma_start3A_745 = tpu.memref_slice %arg3[%dma_start3A_743, %dma_start3A_744] : memref<1000000x32xf32, #tpu.memory_space<hbm>> -> memref<1000000x32xf32, #tpu.memory_space<hbm>>
        tpu.enqueue_indirect_dma source(%dma_start3A_745 : memref<1000000x32xf32, #tpu.memory_space<hbm>>) target(%dma_start3A_739 : memref<50x32xf32, #tpu.memory_space<vmem>>) offsets(%dma_start3A_742 : memref<50xi32, #tpu.memory_space<vmem>>) semaphore(%arg7 : memref<!tpu.dma_semaphore, #tpu.memory_space<semaphore_mem>>)
        %mul3A_746 = arith.constant 16 : i32
        %mul3A_747 = arith.muli %add3A_624, %mul3A_746 : i32
        %add3A_748 = arith.constant 6 : i32
        %add3A_749 = arith.addi %mul3A_747, %add3A_748 : i32
        %dma_start3A_750 = arith.constant 6 : i32
        %dma_start3A_751 = arith.constant 0 : i32
        %dma_start3A_752 = arith.constant 0 : i32
        %dma_start3A_753 = arith.constant 0 : i32
        %dma_start3A_754 = tpu.memref_slice %arg6[%sub3A_625, %dma_start3A_751, %dma_start3A_752, %dma_start3A_753] : memref<2x16x50x32xf32, #tpu.memory_space<vmem>> -> memref<1x16x50x32xf32, #tpu.memory_space<vmem>>
        %dma_start3A_755 = tpu.memref_squeeze %dma_start3A_754 : memref<1x16x50x32xf32, #tpu.memory_space<vmem>> -> memref<16x50x32xf32, #tpu.memory_space<vmem>>
        %dma_start3A_756 = arith.constant 0 : i32
        %dma_start3A_757 = arith.constant 0 : i32
        %dma_start3A_758 = tpu.memref_slice %dma_start3A_755[%dma_start3A_750, %dma_start3A_756, %dma_start3A_757] : memref<16x50x32xf32, #tpu.memory_space<vmem>> -> memref<1x50x32xf32, #tpu.memory_space<vmem>>
        %dma_start3A_759 = tpu.memref_squeeze %dma_start3A_758 : memref<1x50x32xf32, #tpu.memory_space<vmem>> -> memref<50x32xf32, #tpu.memory_space<vmem>>
        %dma_start3A_760 = arith.constant 0 : i32
        %dma_start3A_761 = tpu.memref_slice %arg5[%add3A_749, %dma_start3A_760] : memref<512x50xi32, #tpu.memory_space<vmem>> -> memref<1x50xi32, #tpu.memory_space<vmem>>
        %dma_start3A_762 = tpu.memref_squeeze %dma_start3A_761 : memref<1x50xi32, #tpu.memory_space<vmem>> -> memref<50xi32, #tpu.memory_space<vmem>>
        %dma_start3A_763 = arith.constant 0 : i32
        %dma_start3A_764 = arith.constant 0 : i32
        %dma_start3A_765 = tpu.memref_slice %arg3[%dma_start3A_763, %dma_start3A_764] : memref<1000000x32xf32, #tpu.memory_space<hbm>> -> memref<1000000x32xf32, #tpu.memory_space<hbm>>
        tpu.enqueue_indirect_dma source(%dma_start3A_765 : memref<1000000x32xf32, #tpu.memory_space<hbm>>) target(%dma_start3A_759 : memref<50x32xf32, #tpu.memory_space<vmem>>) offsets(%dma_start3A_762 : memref<50xi32, #tpu.memory_space<vmem>>) semaphore(%arg7 : memref<!tpu.dma_semaphore, #tpu.memory_space<semaphore_mem>>)
        %mul3A_766 = arith.constant 16 : i32
        %mul3A_767 = arith.muli %add3A_624, %mul3A_766 : i32
        %add3A_768 = arith.constant 7 : i32
        %add3A_769 = arith.addi %mul3A_767, %add3A_768 : i32
        %dma_start3A_770 = arith.constant 7 : i32
        %dma_start3A_771 = arith.constant 0 : i32
        %dma_start3A_772 = arith.constant 0 : i32
        %dma_start3A_773 = arith.constant 0 : i32
        %dma_start3A_774 = tpu.memref_slice %arg6[%sub3A_625, %dma_start3A_771, %dma_start3A_772, %dma_start3A_773] : memref<2x16x50x32xf32, #tpu.memory_space<vmem>> -> memref<1x16x50x32xf32, #tpu.memory_space<vmem>>
        %dma_start3A_775 = tpu.memref_squeeze %dma_start3A_774 : memref<1x16x50x32xf32, #tpu.memory_space<vmem>> -> memref<16x50x32xf32, #tpu.memory_space<vmem>>
        %dma_start3A_776 = arith.constant 0 : i32
        %dma_start3A_777 = arith.constant 0 : i32
        %dma_start3A_778 = tpu.memref_slice %dma_start3A_775[%dma_start3A_770, %dma_start3A_776, %dma_start3A_777] : memref<16x50x32xf32, #tpu.memory_space<vmem>> -> memref<1x50x32xf32, #tpu.memory_space<vmem>>
        %dma_start3A_779 = tpu.memref_squeeze %dma_start3A_778 : memref<1x50x32xf32, #tpu.memory_space<vmem>> -> memref<50x32xf32, #tpu.memory_space<vmem>>
        %dma_start3A_780 = arith.constant 0 : i32
        %dma_start3A_781 = tpu.memref_slice %arg5[%add3A_769, %dma_start3A_780] : memref<512x50xi32, #tpu.memory_space<vmem>> -> memref<1x50xi32, #tpu.memory_space<vmem>>
        %dma_start3A_782 = tpu.memref_squeeze %dma_start3A_781 : memref<1x50xi32, #tpu.memory_space<vmem>> -> memref<50xi32, #tpu.memory_space<vmem>>
        %dma_start3A_783 = arith.constant 0 : i32
        %dma_start3A_784 = arith.constant 0 : i32
        %dma_start3A_785 = tpu.memref_slice %arg3[%dma_start3A_783, %dma_start3A_784] : memref<1000000x32xf32, #tpu.memory_space<hbm>> -> memref<1000000x32xf32, #tpu.memory_space<hbm>>
        tpu.enqueue_indirect_dma source(%dma_start3A_785 : memref<1000000x32xf32, #tpu.memory_space<hbm>>) target(%dma_start3A_779 : memref<50x32xf32, #tpu.memory_space<vmem>>) offsets(%dma_start3A_782 : memref<50xi32, #tpu.memory_space<vmem>>) semaphore(%arg7 : memref<!tpu.dma_semaphore, #tpu.memory_space<semaphore_mem>>)
        %mul3A_786 = arith.constant 16 : i32
        %mul3A_787 = arith.muli %add3A_624, %mul3A_786 : i32
        %add3A_788 = arith.constant 8 : i32
        %add3A_789 = arith.addi %mul3A_787, %add3A_788 : i32
        %dma_start3A_790 = arith.constant 8 : i32
        %dma_start3A_791 = arith.constant 0 : i32
        %dma_start3A_792 = arith.constant 0 : i32
        %dma_start3A_793 = arith.constant 0 : i32
        %dma_start3A_794 = tpu.memref_slice %arg6[%sub3A_625, %dma_start3A_791, %dma_start3A_792, %dma_start3A_793] : memref<2x16x50x32xf32, #tpu.memory_space<vmem>> -> memref<1x16x50x32xf32, #tpu.memory_space<vmem>>
        %dma_start3A_795 = tpu.memref_squeeze %dma_start3A_794 : memref<1x16x50x32xf32, #tpu.memory_space<vmem>> -> memref<16x50x32xf32, #tpu.memory_space<vmem>>
        %dma_start3A_796 = arith.constant 0 : i32
        %dma_start3A_797 = arith.constant 0 : i32
        %dma_start3A_798 = tpu.memref_slice %dma_start3A_795[%dma_start3A_790, %dma_start3A_796, %dma_start3A_797] : memref<16x50x32xf32, #tpu.memory_space<vmem>> -> memref<1x50x32xf32, #tpu.memory_space<vmem>>
        %dma_start3A_799 = tpu.memref_squeeze %dma_start3A_798 : memref<1x50x32xf32, #tpu.memory_space<vmem>> -> memref<50x32xf32, #tpu.memory_space<vmem>>
        %dma_start3A_800 = arith.constant 0 : i32
        %dma_start3A_801 = tpu.memref_slice %arg5[%add3A_789, %dma_start3A_800] : memref<512x50xi32, #tpu.memory_space<vmem>> -> memref<1x50xi32, #tpu.memory_space<vmem>>
        %dma_start3A_802 = tpu.memref_squeeze %dma_start3A_801 : memref<1x50xi32, #tpu.memory_space<vmem>> -> memref<50xi32, #tpu.memory_space<vmem>>
        %dma_start3A_803 = arith.constant 0 : i32
        %dma_start3A_804 = arith.constant 0 : i32
        %dma_start3A_805 = tpu.memref_slice %arg3[%dma_start3A_803, %dma_start3A_804] : memref<1000000x32xf32, #tpu.memory_space<hbm>> -> memref<1000000x32xf32, #tpu.memory_space<hbm>>
        tpu.enqueue_indirect_dma source(%dma_start3A_805 : memref<1000000x32xf32, #tpu.memory_space<hbm>>) target(%dma_start3A_799 : memref<50x32xf32, #tpu.memory_space<vmem>>) offsets(%dma_start3A_802 : memref<50xi32, #tpu.memory_space<vmem>>) semaphore(%arg7 : memref<!tpu.dma_semaphore, #tpu.memory_space<semaphore_mem>>)
        %mul3A_806 = arith.constant 16 : i32
        %mul3A_807 = arith.muli %add3A_624, %mul3A_806 : i32
        %add3A_808 = arith.constant 9 : i32
        %add3A_809 = arith.addi %mul3A_807, %add3A_808 : i32
        %dma_start3A_810 = arith.constant 9 : i32
        %dma_start3A_811 = arith.constant 0 : i32
        %dma_start3A_812 = arith.constant 0 : i32
        %dma_start3A_813 = arith.constant 0 : i32
        %dma_start3A_814 = tpu.memref_slice %arg6[%sub3A_625, %dma_start3A_811, %dma_start3A_812, %dma_start3A_813] : memref<2x16x50x32xf32, #tpu.memory_space<vmem>> -> memref<1x16x50x32xf32, #tpu.memory_space<vmem>>
        %dma_start3A_815 = tpu.memref_squeeze %dma_start3A_814 : memref<1x16x50x32xf32, #tpu.memory_space<vmem>> -> memref<16x50x32xf32, #tpu.memory_space<vmem>>
        %dma_start3A_816 = arith.constant 0 : i32
        %dma_start3A_817 = arith.constant 0 : i32
        %dma_start3A_818 = tpu.memref_slice %dma_start3A_815[%dma_start3A_810, %dma_start3A_816, %dma_start3A_817] : memref<16x50x32xf32, #tpu.memory_space<vmem>> -> memref<1x50x32xf32, #tpu.memory_space<vmem>>
        %dma_start3A_819 = tpu.memref_squeeze %dma_start3A_818 : memref<1x50x32xf32, #tpu.memory_space<vmem>> -> memref<50x32xf32, #tpu.memory_space<vmem>>
        %dma_start3A_820 = arith.constant 0 : i32
        %dma_start3A_821 = tpu.memref_slice %arg5[%add3A_809, %dma_start3A_820] : memref<512x50xi32, #tpu.memory_space<vmem>> -> memref<1x50xi32, #tpu.memory_space<vmem>>
        %dma_start3A_822 = tpu.memref_squeeze %dma_start3A_821 : memref<1x50xi32, #tpu.memory_space<vmem>> -> memref<50xi32, #tpu.memory_space<vmem>>
        %dma_start3A_823 = arith.constant 0 : i32
        %dma_start3A_824 = arith.constant 0 : i32
        %dma_start3A_825 = tpu.memref_slice %arg3[%dma_start3A_823, %dma_start3A_824] : memref<1000000x32xf32, #tpu.memory_space<hbm>> -> memref<1000000x32xf32, #tpu.memory_space<hbm>>
        tpu.enqueue_indirect_dma source(%dma_start3A_825 : memref<1000000x32xf32, #tpu.memory_space<hbm>>) target(%dma_start3A_819 : memref<50x32xf32, #tpu.memory_space<vmem>>) offsets(%dma_start3A_822 : memref<50xi32, #tpu.memory_space<vmem>>) semaphore(%arg7 : memref<!tpu.dma_semaphore, #tpu.memory_space<semaphore_mem>>)
        %mul3A_826 = arith.constant 16 : i32
        %mul3A_827 = arith.muli %add3A_624, %mul3A_826 : i32
        %add3A_828 = arith.constant 10 : i32
        %add3A_829 = arith.addi %mul3A_827, %add3A_828 : i32
        %dma_start3A_830 = arith.constant 10 : i32
        %dma_start3A_831 = arith.constant 0 : i32
        %dma_start3A_832 = arith.constant 0 : i32
        %dma_start3A_833 = arith.constant 0 : i32
        %dma_start3A_834 = tpu.memref_slice %arg6[%sub3A_625, %dma_start3A_831, %dma_start3A_832, %dma_start3A_833] : memref<2x16x50x32xf32, #tpu.memory_space<vmem>> -> memref<1x16x50x32xf32, #tpu.memory_space<vmem>>
        %dma_start3A_835 = tpu.memref_squeeze %dma_start3A_834 : memref<1x16x50x32xf32, #tpu.memory_space<vmem>> -> memref<16x50x32xf32, #tpu.memory_space<vmem>>
        %dma_start3A_836 = arith.constant 0 : i32
        %dma_start3A_837 = arith.constant 0 : i32
        %dma_start3A_838 = tpu.memref_slice %dma_start3A_835[%dma_start3A_830, %dma_start3A_836, %dma_start3A_837] : memref<16x50x32xf32, #tpu.memory_space<vmem>> -> memref<1x50x32xf32, #tpu.memory_space<vmem>>
        %dma_start3A_839 = tpu.memref_squeeze %dma_start3A_838 : memref<1x50x32xf32, #tpu.memory_space<vmem>> -> memref<50x32xf32, #tpu.memory_space<vmem>>
        %dma_start3A_840 = arith.constant 0 : i32
        %dma_start3A_841 = tpu.memref_slice %arg5[%add3A_829, %dma_start3A_840] : memref<512x50xi32, #tpu.memory_space<vmem>> -> memref<1x50xi32, #tpu.memory_space<vmem>>
        %dma_start3A_842 = tpu.memref_squeeze %dma_start3A_841 : memref<1x50xi32, #tpu.memory_space<vmem>> -> memref<50xi32, #tpu.memory_space<vmem>>
        %dma_start3A_843 = arith.constant 0 : i32
        %dma_start3A_844 = arith.constant 0 : i32
        %dma_start3A_845 = tpu.memref_slice %arg3[%dma_start3A_843, %dma_start3A_844] : memref<1000000x32xf32, #tpu.memory_space<hbm>> -> memref<1000000x32xf32, #tpu.memory_space<hbm>>
        tpu.enqueue_indirect_dma source(%dma_start3A_845 : memref<1000000x32xf32, #tpu.memory_space<hbm>>) target(%dma_start3A_839 : memref<50x32xf32, #tpu.memory_space<vmem>>) offsets(%dma_start3A_842 : memref<50xi32, #tpu.memory_space<vmem>>) semaphore(%arg7 : memref<!tpu.dma_semaphore, #tpu.memory_space<semaphore_mem>>)
        %mul3A_846 = arith.constant 16 : i32
        %mul3A_847 = arith.muli %add3A_624, %mul3A_846 : i32
        %add3A_848 = arith.constant 11 : i32
        %add3A_849 = arith.addi %mul3A_847, %add3A_848 : i32
        %dma_start3A_850 = arith.constant 11 : i32
        %dma_start3A_851 = arith.constant 0 : i32
        %dma_start3A_852 = arith.constant 0 : i32
        %dma_start3A_853 = arith.constant 0 : i32
        %dma_start3A_854 = tpu.memref_slice %arg6[%sub3A_625, %dma_start3A_851, %dma_start3A_852, %dma_start3A_853] : memref<2x16x50x32xf32, #tpu.memory_space<vmem>> -> memref<1x16x50x32xf32, #tpu.memory_space<vmem>>
        %dma_start3A_855 = tpu.memref_squeeze %dma_start3A_854 : memref<1x16x50x32xf32, #tpu.memory_space<vmem>> -> memref<16x50x32xf32, #tpu.memory_space<vmem>>
        %dma_start3A_856 = arith.constant 0 : i32
        %dma_start3A_857 = arith.constant 0 : i32
        %dma_start3A_858 = tpu.memref_slice %dma_start3A_855[%dma_start3A_850, %dma_start3A_856, %dma_start3A_857] : memref<16x50x32xf32, #tpu.memory_space<vmem>> -> memref<1x50x32xf32, #tpu.memory_space<vmem>>
        %dma_start3A_859 = tpu.memref_squeeze %dma_start3A_858 : memref<1x50x32xf32, #tpu.memory_space<vmem>> -> memref<50x32xf32, #tpu.memory_space<vmem>>
        %dma_start3A_860 = arith.constant 0 : i32
        %dma_start3A_861 = tpu.memref_slice %arg5[%add3A_849, %dma_start3A_860] : memref<512x50xi32, #tpu.memory_space<vmem>> -> memref<1x50xi32, #tpu.memory_space<vmem>>
        %dma_start3A_862 = tpu.memref_squeeze %dma_start3A_861 : memref<1x50xi32, #tpu.memory_space<vmem>> -> memref<50xi32, #tpu.memory_space<vmem>>
        %dma_start3A_863 = arith.constant 0 : i32
        %dma_start3A_864 = arith.constant 0 : i32
        %dma_start3A_865 = tpu.memref_slice %arg3[%dma_start3A_863, %dma_start3A_864] : memref<1000000x32xf32, #tpu.memory_space<hbm>> -> memref<1000000x32xf32, #tpu.memory_space<hbm>>
        tpu.enqueue_indirect_dma source(%dma_start3A_865 : memref<1000000x32xf32, #tpu.memory_space<hbm>>) target(%dma_start3A_859 : memref<50x32xf32, #tpu.memory_space<vmem>>) offsets(%dma_start3A_862 : memref<50xi32, #tpu.memory_space<vmem>>) semaphore(%arg7 : memref<!tpu.dma_semaphore, #tpu.memory_space<semaphore_mem>>)
        %mul3A_866 = arith.constant 16 : i32
        %mul3A_867 = arith.muli %add3A_624, %mul3A_866 : i32
        %add3A_868 = arith.constant 12 : i32
        %add3A_869 = arith.addi %mul3A_867, %add3A_868 : i32
        %dma_start3A_870 = arith.constant 12 : i32
        %dma_start3A_871 = arith.constant 0 : i32
        %dma_start3A_872 = arith.constant 0 : i32
        %dma_start3A_873 = arith.constant 0 : i32
        %dma_start3A_874 = tpu.memref_slice %arg6[%sub3A_625, %dma_start3A_871, %dma_start3A_872, %dma_start3A_873] : memref<2x16x50x32xf32, #tpu.memory_space<vmem>> -> memref<1x16x50x32xf32, #tpu.memory_space<vmem>>
        %dma_start3A_875 = tpu.memref_squeeze %dma_start3A_874 : memref<1x16x50x32xf32, #tpu.memory_space<vmem>> -> memref<16x50x32xf32, #tpu.memory_space<vmem>>
        %dma_start3A_876 = arith.constant 0 : i32
        %dma_start3A_877 = arith.constant 0 : i32
        %dma_start3A_878 = tpu.memref_slice %dma_start3A_875[%dma_start3A_870, %dma_start3A_876, %dma_start3A_877] : memref<16x50x32xf32, #tpu.memory_space<vmem>> -> memref<1x50x32xf32, #tpu.memory_space<vmem>>
        %dma_start3A_879 = tpu.memref_squeeze %dma_start3A_878 : memref<1x50x32xf32, #tpu.memory_space<vmem>> -> memref<50x32xf32, #tpu.memory_space<vmem>>
        %dma_start3A_880 = arith.constant 0 : i32
        %dma_start3A_881 = tpu.memref_slice %arg5[%add3A_869, %dma_start3A_880] : memref<512x50xi32, #tpu.memory_space<vmem>> -> memref<1x50xi32, #tpu.memory_space<vmem>>
        %dma_start3A_882 = tpu.memref_squeeze %dma_start3A_881 : memref<1x50xi32, #tpu.memory_space<vmem>> -> memref<50xi32, #tpu.memory_space<vmem>>
        %dma_start3A_883 = arith.constant 0 : i32
        %dma_start3A_884 = arith.constant 0 : i32
        %dma_start3A_885 = tpu.memref_slice %arg3[%dma_start3A_883, %dma_start3A_884] : memref<1000000x32xf32, #tpu.memory_space<hbm>> -> memref<1000000x32xf32, #tpu.memory_space<hbm>>
        tpu.enqueue_indirect_dma source(%dma_start3A_885 : memref<1000000x32xf32, #tpu.memory_space<hbm>>) target(%dma_start3A_879 : memref<50x32xf32, #tpu.memory_space<vmem>>) offsets(%dma_start3A_882 : memref<50xi32, #tpu.memory_space<vmem>>) semaphore(%arg7 : memref<!tpu.dma_semaphore, #tpu.memory_space<semaphore_mem>>)
        %mul3A_886 = arith.constant 16 : i32
        %mul3A_887 = arith.muli %add3A_624, %mul3A_886 : i32
        %add3A_888 = arith.constant 13 : i32
        %add3A_889 = arith.addi %mul3A_887, %add3A_888 : i32
        %dma_start3A_890 = arith.constant 13 : i32
        %dma_start3A_891 = arith.constant 0 : i32
        %dma_start3A_892 = arith.constant 0 : i32
        %dma_start3A_893 = arith.constant 0 : i32
        %dma_start3A_894 = tpu.memref_slice %arg6[%sub3A_625, %dma_start3A_891, %dma_start3A_892, %dma_start3A_893] : memref<2x16x50x32xf32, #tpu.memory_space<vmem>> -> memref<1x16x50x32xf32, #tpu.memory_space<vmem>>
        %dma_start3A_895 = tpu.memref_squeeze %dma_start3A_894 : memref<1x16x50x32xf32, #tpu.memory_space<vmem>> -> memref<16x50x32xf32, #tpu.memory_space<vmem>>
        %dma_start3A_896 = arith.constant 0 : i32
        %dma_start3A_897 = arith.constant 0 : i32
        %dma_start3A_898 = tpu.memref_slice %dma_start3A_895[%dma_start3A_890, %dma_start3A_896, %dma_start3A_897] : memref<16x50x32xf32, #tpu.memory_space<vmem>> -> memref<1x50x32xf32, #tpu.memory_space<vmem>>
        %dma_start3A_899 = tpu.memref_squeeze %dma_start3A_898 : memref<1x50x32xf32, #tpu.memory_space<vmem>> -> memref<50x32xf32, #tpu.memory_space<vmem>>
        %dma_start3A_900 = arith.constant 0 : i32
        %dma_start3A_901 = tpu.memref_slice %arg5[%add3A_889, %dma_start3A_900] : memref<512x50xi32, #tpu.memory_space<vmem>> -> memref<1x50xi32, #tpu.memory_space<vmem>>
        %dma_start3A_902 = tpu.memref_squeeze %dma_start3A_901 : memref<1x50xi32, #tpu.memory_space<vmem>> -> memref<50xi32, #tpu.memory_space<vmem>>
        %dma_start3A_903 = arith.constant 0 : i32
        %dma_start3A_904 = arith.constant 0 : i32
        %dma_start3A_905 = tpu.memref_slice %arg3[%dma_start3A_903, %dma_start3A_904] : memref<1000000x32xf32, #tpu.memory_space<hbm>> -> memref<1000000x32xf32, #tpu.memory_space<hbm>>
        tpu.enqueue_indirect_dma source(%dma_start3A_905 : memref<1000000x32xf32, #tpu.memory_space<hbm>>) target(%dma_start3A_899 : memref<50x32xf32, #tpu.memory_space<vmem>>) offsets(%dma_start3A_902 : memref<50xi32, #tpu.memory_space<vmem>>) semaphore(%arg7 : memref<!tpu.dma_semaphore, #tpu.memory_space<semaphore_mem>>)
        %mul3A_906 = arith.constant 16 : i32
        %mul3A_907 = arith.muli %add3A_624, %mul3A_906 : i32
        %add3A_908 = arith.constant 14 : i32
        %add3A_909 = arith.addi %mul3A_907, %add3A_908 : i32
        %dma_start3A_910 = arith.constant 14 : i32
        %dma_start3A_911 = arith.constant 0 : i32
        %dma_start3A_912 = arith.constant 0 : i32
        %dma_start3A_913 = arith.constant 0 : i32
        %dma_start3A_914 = tpu.memref_slice %arg6[%sub3A_625, %dma_start3A_911, %dma_start3A_912, %dma_start3A_913] : memref<2x16x50x32xf32, #tpu.memory_space<vmem>> -> memref<1x16x50x32xf32, #tpu.memory_space<vmem>>
        %dma_start3A_915 = tpu.memref_squeeze %dma_start3A_914 : memref<1x16x50x32xf32, #tpu.memory_space<vmem>> -> memref<16x50x32xf32, #tpu.memory_space<vmem>>
        %dma_start3A_916 = arith.constant 0 : i32
        %dma_start3A_917 = arith.constant 0 : i32
        %dma_start3A_918 = tpu.memref_slice %dma_start3A_915[%dma_start3A_910, %dma_start3A_916, %dma_start3A_917] : memref<16x50x32xf32, #tpu.memory_space<vmem>> -> memref<1x50x32xf32, #tpu.memory_space<vmem>>
        %dma_start3A_919 = tpu.memref_squeeze %dma_start3A_918 : memref<1x50x32xf32, #tpu.memory_space<vmem>> -> memref<50x32xf32, #tpu.memory_space<vmem>>
        %dma_start3A_920 = arith.constant 0 : i32
        %dma_start3A_921 = tpu.memref_slice %arg5[%add3A_909, %dma_start3A_920] : memref<512x50xi32, #tpu.memory_space<vmem>> -> memref<1x50xi32, #tpu.memory_space<vmem>>
        %dma_start3A_922 = tpu.memref_squeeze %dma_start3A_921 : memref<1x50xi32, #tpu.memory_space<vmem>> -> memref<50xi32, #tpu.memory_space<vmem>>
        %dma_start3A_923 = arith.constant 0 : i32
        %dma_start3A_924 = arith.constant 0 : i32
        %dma_start3A_925 = tpu.memref_slice %arg3[%dma_start3A_923, %dma_start3A_924] : memref<1000000x32xf32, #tpu.memory_space<hbm>> -> memref<1000000x32xf32, #tpu.memory_space<hbm>>
        tpu.enqueue_indirect_dma source(%dma_start3A_925 : memref<1000000x32xf32, #tpu.memory_space<hbm>>) target(%dma_start3A_919 : memref<50x32xf32, #tpu.memory_space<vmem>>) offsets(%dma_start3A_922 : memref<50xi32, #tpu.memory_space<vmem>>) semaphore(%arg7 : memref<!tpu.dma_semaphore, #tpu.memory_space<semaphore_mem>>)
        %mul3A_926 = arith.constant 16 : i32
        %mul3A_927 = arith.muli %add3A_624, %mul3A_926 : i32
        %add3A_928 = arith.constant 15 : i32
        %add3A_929 = arith.addi %mul3A_927, %add3A_928 : i32
        %dma_start3A_930 = arith.constant 15 : i32
        %dma_start3A_931 = arith.constant 0 : i32
        %dma_start3A_932 = arith.constant 0 : i32
        %dma_start3A_933 = arith.constant 0 : i32
        %dma_start3A_934 = tpu.memref_slice %arg6[%sub3A_625, %dma_start3A_931, %dma_start3A_932, %dma_start3A_933] : memref<2x16x50x32xf32, #tpu.memory_space<vmem>> -> memref<1x16x50x32xf32, #tpu.memory_space<vmem>>
        %dma_start3A_935 = tpu.memref_squeeze %dma_start3A_934 : memref<1x16x50x32xf32, #tpu.memory_space<vmem>> -> memref<16x50x32xf32, #tpu.memory_space<vmem>>
        %dma_start3A_936 = arith.constant 0 : i32
        %dma_start3A_937 = arith.constant 0 : i32
        %dma_start3A_938 = tpu.memref_slice %dma_start3A_935[%dma_start3A_930, %dma_start3A_936, %dma_start3A_937] : memref<16x50x32xf32, #tpu.memory_space<vmem>> -> memref<1x50x32xf32, #tpu.memory_space<vmem>>
        %dma_start3A_939 = tpu.memref_squeeze %dma_start3A_938 : memref<1x50x32xf32, #tpu.memory_space<vmem>> -> memref<50x32xf32, #tpu.memory_space<vmem>>
        %dma_start3A_940 = arith.constant 0 : i32
        %dma_start3A_941 = tpu.memref_slice %arg5[%add3A_929, %dma_start3A_940] : memref<512x50xi32, #tpu.memory_space<vmem>> -> memref<1x50xi32, #tpu.memory_space<vmem>>
        %dma_start3A_942 = tpu.memref_squeeze %dma_start3A_941 : memref<1x50xi32, #tpu.memory_space<vmem>> -> memref<50xi32, #tpu.memory_space<vmem>>
        %dma_start3A_943 = arith.constant 0 : i32
        %dma_start3A_944 = arith.constant 0 : i32
        %dma_start3A_945 = tpu.memref_slice %arg3[%dma_start3A_943, %dma_start3A_944] : memref<1000000x32xf32, #tpu.memory_space<hbm>> -> memref<1000000x32xf32, #tpu.memory_space<hbm>>
        tpu.enqueue_indirect_dma source(%dma_start3A_945 : memref<1000000x32xf32, #tpu.memory_space<hbm>>) target(%dma_start3A_939 : memref<50x32xf32, #tpu.memory_space<vmem>>) offsets(%dma_start3A_942 : memref<50xi32, #tpu.memory_space<vmem>>) semaphore(%arg7 : memref<!tpu.dma_semaphore, #tpu.memory_space<semaphore_mem>>)
      } else {
      }
      %mul3A_301 = arith.constant 16 : i32
      %mul3A_302 = arith.muli %scan3A_295, %mul3A_301 : i32
      %add3A_303 = arith.constant 0 : i32
      %add3A_304 = arith.addi %mul3A_302, %add3A_303 : i32
      %dma_wait3A = arith.constant 0 : i32
      %dma_wait3A_305 = arith.constant 0 : i32
      %dma_wait3A_306 = arith.constant 0 : i32
      %dma_wait3A_307 = arith.constant 0 : i32
      %dma_wait3A_308 = tpu.memref_slice %arg6[%rem3A_296, %dma_wait3A_305, %dma_wait3A_306, %dma_wait3A_307] : memref<2x16x50x32xf32, #tpu.memory_space<vmem>> -> memref<1x16x50x32xf32, #tpu.memory_space<vmem>>
      %dma_wait3A_309 = tpu.memref_squeeze %dma_wait3A_308 : memref<1x16x50x32xf32, #tpu.memory_space<vmem>> -> memref<16x50x32xf32, #tpu.memory_space<vmem>>
      %dma_wait3A_310 = arith.constant 0 : i32
      %dma_wait3A_311 = arith.constant 0 : i32
      %dma_wait3A_312 = tpu.memref_slice %dma_wait3A_309[%dma_wait3A, %dma_wait3A_310, %dma_wait3A_311] : memref<16x50x32xf32, #tpu.memory_space<vmem>> -> memref<1x50x32xf32, #tpu.memory_space<vmem>>
      %dma_wait3A_313 = tpu.memref_squeeze %dma_wait3A_312 : memref<1x50x32xf32, #tpu.memory_space<vmem>> -> memref<50x32xf32, #tpu.memory_space<vmem>>
      %dma_wait3A_314 = arith.constant 0 : i32
      %dma_wait3A_315 = tpu.memref_slice %arg5[%add3A_304, %dma_wait3A_314] : memref<512x50xi32, #tpu.memory_space<vmem>> -> memref<1x50xi32, #tpu.memory_space<vmem>>
      %dma_wait3A_316 = tpu.memref_squeeze %dma_wait3A_315 : memref<1x50xi32, #tpu.memory_space<vmem>> -> memref<50xi32, #tpu.memory_space<vmem>>
      %dma_wait3A_317 = arith.constant 0 : i32
      %dma_wait3A_318 = arith.constant 0 : i32
      %dma_wait3A_319 = tpu.memref_slice %arg3[%dma_wait3A_317, %dma_wait3A_318] : memref<1000000x32xf32, #tpu.memory_space<hbm>> -> memref<1000000x32xf32, #tpu.memory_space<hbm>>
      tpu.wait_indirect_dma semaphore(%arg7 : memref<!tpu.dma_semaphore, #tpu.memory_space<semaphore_mem>>) src(%dma_wait3A_319 : memref<1000000x32xf32, #tpu.memory_space<hbm>>) dst(%dma_wait3A_313 : memref<50x32xf32, #tpu.memory_space<vmem>>)
      %mul3A_320 = arith.constant 16 : i32
      %mul3A_321 = arith.muli %scan3A_295, %mul3A_320 : i32
      %add3A_322 = arith.constant 1 : i32
      %add3A_323 = arith.addi %mul3A_321, %add3A_322 : i32
      %dma_wait3A_324 = arith.constant 1 : i32
      %dma_wait3A_325 = arith.constant 0 : i32
      %dma_wait3A_326 = arith.constant 0 : i32
      %dma_wait3A_327 = arith.constant 0 : i32
      %dma_wait3A_328 = tpu.memref_slice %arg6[%rem3A_296, %dma_wait3A_325, %dma_wait3A_326, %dma_wait3A_327] : memref<2x16x50x32xf32, #tpu.memory_space<vmem>> -> memref<1x16x50x32xf32, #tpu.memory_space<vmem>>
      %dma_wait3A_329 = tpu.memref_squeeze %dma_wait3A_328 : memref<1x16x50x32xf32, #tpu.memory_space<vmem>> -> memref<16x50x32xf32, #tpu.memory_space<vmem>>
      %dma_wait3A_330 = arith.constant 0 : i32
      %dma_wait3A_331 = arith.constant 0 : i32
      %dma_wait3A_332 = tpu.memref_slice %dma_wait3A_329[%dma_wait3A_324, %dma_wait3A_330, %dma_wait3A_331] : memref<16x50x32xf32, #tpu.memory_space<vmem>> -> memref<1x50x32xf32, #tpu.memory_space<vmem>>
      %dma_wait3A_333 = tpu.memref_squeeze %dma_wait3A_332 : memref<1x50x32xf32, #tpu.memory_space<vmem>> -> memref<50x32xf32, #tpu.memory_space<vmem>>
      %dma_wait3A_334 = arith.constant 0 : i32
      %dma_wait3A_335 = tpu.memref_slice %arg5[%add3A_323, %dma_wait3A_334] : memref<512x50xi32, #tpu.memory_space<vmem>> -> memref<1x50xi32, #tpu.memory_space<vmem>>
      %dma_wait3A_336 = tpu.memref_squeeze %dma_wait3A_335 : memref<1x50xi32, #tpu.memory_space<vmem>> -> memref<50xi32, #tpu.memory_space<vmem>>
      %dma_wait3A_337 = arith.constant 0 : i32
      %dma_wait3A_338 = arith.constant 0 : i32
      %dma_wait3A_339 = tpu.memref_slice %arg3[%dma_wait3A_337, %dma_wait3A_338] : memref<1000000x32xf32, #tpu.memory_space<hbm>> -> memref<1000000x32xf32, #tpu.memory_space<hbm>>
      tpu.wait_indirect_dma semaphore(%arg7 : memref<!tpu.dma_semaphore, #tpu.memory_space<semaphore_mem>>) src(%dma_wait3A_339 : memref<1000000x32xf32, #tpu.memory_space<hbm>>) dst(%dma_wait3A_333 : memref<50x32xf32, #tpu.memory_space<vmem>>)
      %mul3A_340 = arith.constant 16 : i32
      %mul3A_341 = arith.muli %scan3A_295, %mul3A_340 : i32
      %add3A_342 = arith.constant 2 : i32
      %add3A_343 = arith.addi %mul3A_341, %add3A_342 : i32
      %dma_wait3A_344 = arith.constant 2 : i32
      %dma_wait3A_345 = arith.constant 0 : i32
      %dma_wait3A_346 = arith.constant 0 : i32
      %dma_wait3A_347 = arith.constant 0 : i32
      %dma_wait3A_348 = tpu.memref_slice %arg6[%rem3A_296, %dma_wait3A_345, %dma_wait3A_346, %dma_wait3A_347] : memref<2x16x50x32xf32, #tpu.memory_space<vmem>> -> memref<1x16x50x32xf32, #tpu.memory_space<vmem>>
      %dma_wait3A_349 = tpu.memref_squeeze %dma_wait3A_348 : memref<1x16x50x32xf32, #tpu.memory_space<vmem>> -> memref<16x50x32xf32, #tpu.memory_space<vmem>>
      %dma_wait3A_350 = arith.constant 0 : i32
      %dma_wait3A_351 = arith.constant 0 : i32
      %dma_wait3A_352 = tpu.memref_slice %dma_wait3A_349[%dma_wait3A_344, %dma_wait3A_350, %dma_wait3A_351] : memref<16x50x32xf32, #tpu.memory_space<vmem>> -> memref<1x50x32xf32, #tpu.memory_space<vmem>>
      %dma_wait3A_353 = tpu.memref_squeeze %dma_wait3A_352 : memref<1x50x32xf32, #tpu.memory_space<vmem>> -> memref<50x32xf32, #tpu.memory_space<vmem>>
      %dma_wait3A_354 = arith.constant 0 : i32
      %dma_wait3A_355 = tpu.memref_slice %arg5[%add3A_343, %dma_wait3A_354] : memref<512x50xi32, #tpu.memory_space<vmem>> -> memref<1x50xi32, #tpu.memory_space<vmem>>
      %dma_wait3A_356 = tpu.memref_squeeze %dma_wait3A_355 : memref<1x50xi32, #tpu.memory_space<vmem>> -> memref<50xi32, #tpu.memory_space<vmem>>
      %dma_wait3A_357 = arith.constant 0 : i32
      %dma_wait3A_358 = arith.constant 0 : i32
      %dma_wait3A_359 = tpu.memref_slice %arg3[%dma_wait3A_357, %dma_wait3A_358] : memref<1000000x32xf32, #tpu.memory_space<hbm>> -> memref<1000000x32xf32, #tpu.memory_space<hbm>>
      tpu.wait_indirect_dma semaphore(%arg7 : memref<!tpu.dma_semaphore, #tpu.memory_space<semaphore_mem>>) src(%dma_wait3A_359 : memref<1000000x32xf32, #tpu.memory_space<hbm>>) dst(%dma_wait3A_353 : memref<50x32xf32, #tpu.memory_space<vmem>>)
      %mul3A_360 = arith.constant 16 : i32
      %mul3A_361 = arith.muli %scan3A_295, %mul3A_360 : i32
      %add3A_362 = arith.constant 3 : i32
      %add3A_363 = arith.addi %mul3A_361, %add3A_362 : i32
      %dma_wait3A_364 = arith.constant 3 : i32
      %dma_wait3A_365 = arith.constant 0 : i32
      %dma_wait3A_366 = arith.constant 0 : i32
      %dma_wait3A_367 = arith.constant 0 : i32
      %dma_wait3A_368 = tpu.memref_slice %arg6[%rem3A_296, %dma_wait3A_365, %dma_wait3A_366, %dma_wait3A_367] : memref<2x16x50x32xf32, #tpu.memory_space<vmem>> -> memref<1x16x50x32xf32, #tpu.memory_space<vmem>>
      %dma_wait3A_369 = tpu.memref_squeeze %dma_wait3A_368 : memref<1x16x50x32xf32, #tpu.memory_space<vmem>> -> memref<16x50x32xf32, #tpu.memory_space<vmem>>
      %dma_wait3A_370 = arith.constant 0 : i32
      %dma_wait3A_371 = arith.constant 0 : i32
      %dma_wait3A_372 = tpu.memref_slice %dma_wait3A_369[%dma_wait3A_364, %dma_wait3A_370, %dma_wait3A_371] : memref<16x50x32xf32, #tpu.memory_space<vmem>> -> memref<1x50x32xf32, #tpu.memory_space<vmem>>
      %dma_wait3A_373 = tpu.memref_squeeze %dma_wait3A_372 : memref<1x50x32xf32, #tpu.memory_space<vmem>> -> memref<50x32xf32, #tpu.memory_space<vmem>>
      %dma_wait3A_374 = arith.constant 0 : i32
      %dma_wait3A_375 = tpu.memref_slice %arg5[%add3A_363, %dma_wait3A_374] : memref<512x50xi32, #tpu.memory_space<vmem>> -> memref<1x50xi32, #tpu.memory_space<vmem>>
      %dma_wait3A_376 = tpu.memref_squeeze %dma_wait3A_375 : memref<1x50xi32, #tpu.memory_space<vmem>> -> memref<50xi32, #tpu.memory_space<vmem>>
      %dma_wait3A_377 = arith.constant 0 : i32
      %dma_wait3A_378 = arith.constant 0 : i32
      %dma_wait3A_379 = tpu.memref_slice %arg3[%dma_wait3A_377, %dma_wait3A_378] : memref<1000000x32xf32, #tpu.memory_space<hbm>> -> memref<1000000x32xf32, #tpu.memory_space<hbm>>
      tpu.wait_indirect_dma semaphore(%arg7 : memref<!tpu.dma_semaphore, #tpu.memory_space<semaphore_mem>>) src(%dma_wait3A_379 : memref<1000000x32xf32, #tpu.memory_space<hbm>>) dst(%dma_wait3A_373 : memref<50x32xf32, #tpu.memory_space<vmem>>)
      %mul3A_380 = arith.constant 16 : i32
      %mul3A_381 = arith.muli %scan3A_295, %mul3A_380 : i32
      %add3A_382 = arith.constant 4 : i32
      %add3A_383 = arith.addi %mul3A_381, %add3A_382 : i32
      %dma_wait3A_384 = arith.constant 4 : i32
      %dma_wait3A_385 = arith.constant 0 : i32
      %dma_wait3A_386 = arith.constant 0 : i32
      %dma_wait3A_387 = arith.constant 0 : i32
      %dma_wait3A_388 = tpu.memref_slice %arg6[%rem3A_296, %dma_wait3A_385, %dma_wait3A_386, %dma_wait3A_387] : memref<2x16x50x32xf32, #tpu.memory_space<vmem>> -> memref<1x16x50x32xf32, #tpu.memory_space<vmem>>
      %dma_wait3A_389 = tpu.memref_squeeze %dma_wait3A_388 : memref<1x16x50x32xf32, #tpu.memory_space<vmem>> -> memref<16x50x32xf32, #tpu.memory_space<vmem>>
      %dma_wait3A_390 = arith.constant 0 : i32
      %dma_wait3A_391 = arith.constant 0 : i32
      %dma_wait3A_392 = tpu.memref_slice %dma_wait3A_389[%dma_wait3A_384, %dma_wait3A_390, %dma_wait3A_391] : memref<16x50x32xf32, #tpu.memory_space<vmem>> -> memref<1x50x32xf32, #tpu.memory_space<vmem>>
      %dma_wait3A_393 = tpu.memref_squeeze %dma_wait3A_392 : memref<1x50x32xf32, #tpu.memory_space<vmem>> -> memref<50x32xf32, #tpu.memory_space<vmem>>
      %dma_wait3A_394 = arith.constant 0 : i32
      %dma_wait3A_395 = tpu.memref_slice %arg5[%add3A_383, %dma_wait3A_394] : memref<512x50xi32, #tpu.memory_space<vmem>> -> memref<1x50xi32, #tpu.memory_space<vmem>>
      %dma_wait3A_396 = tpu.memref_squeeze %dma_wait3A_395 : memref<1x50xi32, #tpu.memory_space<vmem>> -> memref<50xi32, #tpu.memory_space<vmem>>
      %dma_wait3A_397 = arith.constant 0 : i32
      %dma_wait3A_398 = arith.constant 0 : i32
      %dma_wait3A_399 = tpu.memref_slice %arg3[%dma_wait3A_397, %dma_wait3A_398] : memref<1000000x32xf32, #tpu.memory_space<hbm>> -> memref<1000000x32xf32, #tpu.memory_space<hbm>>
      tpu.wait_indirect_dma semaphore(%arg7 : memref<!tpu.dma_semaphore, #tpu.memory_space<semaphore_mem>>) src(%dma_wait3A_399 : memref<1000000x32xf32, #tpu.memory_space<hbm>>) dst(%dma_wait3A_393 : memref<50x32xf32, #tpu.memory_space<vmem>>)
      %mul3A_400 = arith.constant 16 : i32
      %mul3A_401 = arith.muli %scan3A_295, %mul3A_400 : i32
      %add3A_402 = arith.constant 5 : i32
      %add3A_403 = arith.addi %mul3A_401, %add3A_402 : i32
      %dma_wait3A_404 = arith.constant 5 : i32
      %dma_wait3A_405 = arith.constant 0 : i32
      %dma_wait3A_406 = arith.constant 0 : i32
      %dma_wait3A_407 = arith.constant 0 : i32
      %dma_wait3A_408 = tpu.memref_slice %arg6[%rem3A_296, %dma_wait3A_405, %dma_wait3A_406, %dma_wait3A_407] : memref<2x16x50x32xf32, #tpu.memory_space<vmem>> -> memref<1x16x50x32xf32, #tpu.memory_space<vmem>>
      %dma_wait3A_409 = tpu.memref_squeeze %dma_wait3A_408 : memref<1x16x50x32xf32, #tpu.memory_space<vmem>> -> memref<16x50x32xf32, #tpu.memory_space<vmem>>
      %dma_wait3A_410 = arith.constant 0 : i32
      %dma_wait3A_411 = arith.constant 0 : i32
      %dma_wait3A_412 = tpu.memref_slice %dma_wait3A_409[%dma_wait3A_404, %dma_wait3A_410, %dma_wait3A_411] : memref<16x50x32xf32, #tpu.memory_space<vmem>> -> memref<1x50x32xf32, #tpu.memory_space<vmem>>
      %dma_wait3A_413 = tpu.memref_squeeze %dma_wait3A_412 : memref<1x50x32xf32, #tpu.memory_space<vmem>> -> memref<50x32xf32, #tpu.memory_space<vmem>>
      %dma_wait3A_414 = arith.constant 0 : i32
      %dma_wait3A_415 = tpu.memref_slice %arg5[%add3A_403, %dma_wait3A_414] : memref<512x50xi32, #tpu.memory_space<vmem>> -> memref<1x50xi32, #tpu.memory_space<vmem>>
      %dma_wait3A_416 = tpu.memref_squeeze %dma_wait3A_415 : memref<1x50xi32, #tpu.memory_space<vmem>> -> memref<50xi32, #tpu.memory_space<vmem>>
      %dma_wait3A_417 = arith.constant 0 : i32
      %dma_wait3A_418 = arith.constant 0 : i32
      %dma_wait3A_419 = tpu.memref_slice %arg3[%dma_wait3A_417, %dma_wait3A_418] : memref<1000000x32xf32, #tpu.memory_space<hbm>> -> memref<1000000x32xf32, #tpu.memory_space<hbm>>
      tpu.wait_indirect_dma semaphore(%arg7 : memref<!tpu.dma_semaphore, #tpu.memory_space<semaphore_mem>>) src(%dma_wait3A_419 : memref<1000000x32xf32, #tpu.memory_space<hbm>>) dst(%dma_wait3A_413 : memref<50x32xf32, #tpu.memory_space<vmem>>)
      %mul3A_420 = arith.constant 16 : i32
      %mul3A_421 = arith.muli %scan3A_295, %mul3A_420 : i32
      %add3A_422 = arith.constant 6 : i32
      %add3A_423 = arith.addi %mul3A_421, %add3A_422 : i32
      %dma_wait3A_424 = arith.constant 6 : i32
      %dma_wait3A_425 = arith.constant 0 : i32
      %dma_wait3A_426 = arith.constant 0 : i32
      %dma_wait3A_427 = arith.constant 0 : i32
      %dma_wait3A_428 = tpu.memref_slice %arg6[%rem3A_296, %dma_wait3A_425, %dma_wait3A_426, %dma_wait3A_427] : memref<2x16x50x32xf32, #tpu.memory_space<vmem>> -> memref<1x16x50x32xf32, #tpu.memory_space<vmem>>
      %dma_wait3A_429 = tpu.memref_squeeze %dma_wait3A_428 : memref<1x16x50x32xf32, #tpu.memory_space<vmem>> -> memref<16x50x32xf32, #tpu.memory_space<vmem>>
      %dma_wait3A_430 = arith.constant 0 : i32
      %dma_wait3A_431 = arith.constant 0 : i32
      %dma_wait3A_432 = tpu.memref_slice %dma_wait3A_429[%dma_wait3A_424, %dma_wait3A_430, %dma_wait3A_431] : memref<16x50x32xf32, #tpu.memory_space<vmem>> -> memref<1x50x32xf32, #tpu.memory_space<vmem>>
      %dma_wait3A_433 = tpu.memref_squeeze %dma_wait3A_432 : memref<1x50x32xf32, #tpu.memory_space<vmem>> -> memref<50x32xf32, #tpu.memory_space<vmem>>
      %dma_wait3A_434 = arith.constant 0 : i32
      %dma_wait3A_435 = tpu.memref_slice %arg5[%add3A_423, %dma_wait3A_434] : memref<512x50xi32, #tpu.memory_space<vmem>> -> memref<1x50xi32, #tpu.memory_space<vmem>>
      %dma_wait3A_436 = tpu.memref_squeeze %dma_wait3A_435 : memref<1x50xi32, #tpu.memory_space<vmem>> -> memref<50xi32, #tpu.memory_space<vmem>>
      %dma_wait3A_437 = arith.constant 0 : i32
      %dma_wait3A_438 = arith.constant 0 : i32
      %dma_wait3A_439 = tpu.memref_slice %arg3[%dma_wait3A_437, %dma_wait3A_438] : memref<1000000x32xf32, #tpu.memory_space<hbm>> -> memref<1000000x32xf32, #tpu.memory_space<hbm>>
      tpu.wait_indirect_dma semaphore(%arg7 : memref<!tpu.dma_semaphore, #tpu.memory_space<semaphore_mem>>) src(%dma_wait3A_439 : memref<1000000x32xf32, #tpu.memory_space<hbm>>) dst(%dma_wait3A_433 : memref<50x32xf32, #tpu.memory_space<vmem>>)
      %mul3A_440 = arith.constant 16 : i32
      %mul3A_441 = arith.muli %scan3A_295, %mul3A_440 : i32
      %add3A_442 = arith.constant 7 : i32
      %add3A_443 = arith.addi %mul3A_441, %add3A_442 : i32
      %dma_wait3A_444 = arith.constant 7 : i32
      %dma_wait3A_445 = arith.constant 0 : i32
      %dma_wait3A_446 = arith.constant 0 : i32
      %dma_wait3A_447 = arith.constant 0 : i32
      %dma_wait3A_448 = tpu.memref_slice %arg6[%rem3A_296, %dma_wait3A_445, %dma_wait3A_446, %dma_wait3A_447] : memref<2x16x50x32xf32, #tpu.memory_space<vmem>> -> memref<1x16x50x32xf32, #tpu.memory_space<vmem>>
      %dma_wait3A_449 = tpu.memref_squeeze %dma_wait3A_448 : memref<1x16x50x32xf32, #tpu.memory_space<vmem>> -> memref<16x50x32xf32, #tpu.memory_space<vmem>>
      %dma_wait3A_450 = arith.constant 0 : i32
      %dma_wait3A_451 = arith.constant 0 : i32
      %dma_wait3A_452 = tpu.memref_slice %dma_wait3A_449[%dma_wait3A_444, %dma_wait3A_450, %dma_wait3A_451] : memref<16x50x32xf32, #tpu.memory_space<vmem>> -> memref<1x50x32xf32, #tpu.memory_space<vmem>>
      %dma_wait3A_453 = tpu.memref_squeeze %dma_wait3A_452 : memref<1x50x32xf32, #tpu.memory_space<vmem>> -> memref<50x32xf32, #tpu.memory_space<vmem>>
      %dma_wait3A_454 = arith.constant 0 : i32
      %dma_wait3A_455 = tpu.memref_slice %arg5[%add3A_443, %dma_wait3A_454] : memref<512x50xi32, #tpu.memory_space<vmem>> -> memref<1x50xi32, #tpu.memory_space<vmem>>
      %dma_wait3A_456 = tpu.memref_squeeze %dma_wait3A_455 : memref<1x50xi32, #tpu.memory_space<vmem>> -> memref<50xi32, #tpu.memory_space<vmem>>
      %dma_wait3A_457 = arith.constant 0 : i32
      %dma_wait3A_458 = arith.constant 0 : i32
      %dma_wait3A_459 = tpu.memref_slice %arg3[%dma_wait3A_457, %dma_wait3A_458] : memref<1000000x32xf32, #tpu.memory_space<hbm>> -> memref<1000000x32xf32, #tpu.memory_space<hbm>>
      tpu.wait_indirect_dma semaphore(%arg7 : memref<!tpu.dma_semaphore, #tpu.memory_space<semaphore_mem>>) src(%dma_wait3A_459 : memref<1000000x32xf32, #tpu.memory_space<hbm>>) dst(%dma_wait3A_453 : memref<50x32xf32, #tpu.memory_space<vmem>>)
      %mul3A_460 = arith.constant 16 : i32
      %mul3A_461 = arith.muli %scan3A_295, %mul3A_460 : i32
      %add3A_462 = arith.constant 8 : i32
      %add3A_463 = arith.addi %mul3A_461, %add3A_462 : i32
      %dma_wait3A_464 = arith.constant 8 : i32
      %dma_wait3A_465 = arith.constant 0 : i32
      %dma_wait3A_466 = arith.constant 0 : i32
      %dma_wait3A_467 = arith.constant 0 : i32
      %dma_wait3A_468 = tpu.memref_slice %arg6[%rem3A_296, %dma_wait3A_465, %dma_wait3A_466, %dma_wait3A_467] : memref<2x16x50x32xf32, #tpu.memory_space<vmem>> -> memref<1x16x50x32xf32, #tpu.memory_space<vmem>>
      %dma_wait3A_469 = tpu.memref_squeeze %dma_wait3A_468 : memref<1x16x50x32xf32, #tpu.memory_space<vmem>> -> memref<16x50x32xf32, #tpu.memory_space<vmem>>
      %dma_wait3A_470 = arith.constant 0 : i32
      %dma_wait3A_471 = arith.constant 0 : i32
      %dma_wait3A_472 = tpu.memref_slice %dma_wait3A_469[%dma_wait3A_464, %dma_wait3A_470, %dma_wait3A_471] : memref<16x50x32xf32, #tpu.memory_space<vmem>> -> memref<1x50x32xf32, #tpu.memory_space<vmem>>
      %dma_wait3A_473 = tpu.memref_squeeze %dma_wait3A_472 : memref<1x50x32xf32, #tpu.memory_space<vmem>> -> memref<50x32xf32, #tpu.memory_space<vmem>>
      %dma_wait3A_474 = arith.constant 0 : i32
      %dma_wait3A_475 = tpu.memref_slice %arg5[%add3A_463, %dma_wait3A_474] : memref<512x50xi32, #tpu.memory_space<vmem>> -> memref<1x50xi32, #tpu.memory_space<vmem>>
      %dma_wait3A_476 = tpu.memref_squeeze %dma_wait3A_475 : memref<1x50xi32, #tpu.memory_space<vmem>> -> memref<50xi32, #tpu.memory_space<vmem>>
      %dma_wait3A_477 = arith.constant 0 : i32
      %dma_wait3A_478 = arith.constant 0 : i32
      %dma_wait3A_479 = tpu.memref_slice %arg3[%dma_wait3A_477, %dma_wait3A_478] : memref<1000000x32xf32, #tpu.memory_space<hbm>> -> memref<1000000x32xf32, #tpu.memory_space<hbm>>
      tpu.wait_indirect_dma semaphore(%arg7 : memref<!tpu.dma_semaphore, #tpu.memory_space<semaphore_mem>>) src(%dma_wait3A_479 : memref<1000000x32xf32, #tpu.memory_space<hbm>>) dst(%dma_wait3A_473 : memref<50x32xf32, #tpu.memory_space<vmem>>)
      %mul3A_480 = arith.constant 16 : i32
      %mul3A_481 = arith.muli %scan3A_295, %mul3A_480 : i32
      %add3A_482 = arith.constant 9 : i32
      %add3A_483 = arith.addi %mul3A_481, %add3A_482 : i32
      %dma_wait3A_484 = arith.constant 9 : i32
      %dma_wait3A_485 = arith.constant 0 : i32
      %dma_wait3A_486 = arith.constant 0 : i32
      %dma_wait3A_487 = arith.constant 0 : i32
      %dma_wait3A_488 = tpu.memref_slice %arg6[%rem3A_296, %dma_wait3A_485, %dma_wait3A_486, %dma_wait3A_487] : memref<2x16x50x32xf32, #tpu.memory_space<vmem>> -> memref<1x16x50x32xf32, #tpu.memory_space<vmem>>
      %dma_wait3A_489 = tpu.memref_squeeze %dma_wait3A_488 : memref<1x16x50x32xf32, #tpu.memory_space<vmem>> -> memref<16x50x32xf32, #tpu.memory_space<vmem>>
      %dma_wait3A_490 = arith.constant 0 : i32
      %dma_wait3A_491 = arith.constant 0 : i32
      %dma_wait3A_492 = tpu.memref_slice %dma_wait3A_489[%dma_wait3A_484, %dma_wait3A_490, %dma_wait3A_491] : memref<16x50x32xf32, #tpu.memory_space<vmem>> -> memref<1x50x32xf32, #tpu.memory_space<vmem>>
      %dma_wait3A_493 = tpu.memref_squeeze %dma_wait3A_492 : memref<1x50x32xf32, #tpu.memory_space<vmem>> -> memref<50x32xf32, #tpu.memory_space<vmem>>
      %dma_wait3A_494 = arith.constant 0 : i32
      %dma_wait3A_495 = tpu.memref_slice %arg5[%add3A_483, %dma_wait3A_494] : memref<512x50xi32, #tpu.memory_space<vmem>> -> memref<1x50xi32, #tpu.memory_space<vmem>>
      %dma_wait3A_496 = tpu.memref_squeeze %dma_wait3A_495 : memref<1x50xi32, #tpu.memory_space<vmem>> -> memref<50xi32, #tpu.memory_space<vmem>>
      %dma_wait3A_497 = arith.constant 0 : i32
      %dma_wait3A_498 = arith.constant 0 : i32
      %dma_wait3A_499 = tpu.memref_slice %arg3[%dma_wait3A_497, %dma_wait3A_498] : memref<1000000x32xf32, #tpu.memory_space<hbm>> -> memref<1000000x32xf32, #tpu.memory_space<hbm>>
      tpu.wait_indirect_dma semaphore(%arg7 : memref<!tpu.dma_semaphore, #tpu.memory_space<semaphore_mem>>) src(%dma_wait3A_499 : memref<1000000x32xf32, #tpu.memory_space<hbm>>) dst(%dma_wait3A_493 : memref<50x32xf32, #tpu.memory_space<vmem>>)
      %mul3A_500 = arith.constant 16 : i32
      %mul3A_501 = arith.muli %scan3A_295, %mul3A_500 : i32
      %add3A_502 = arith.constant 10 : i32
      %add3A_503 = arith.addi %mul3A_501, %add3A_502 : i32
      %dma_wait3A_504 = arith.constant 10 : i32
      %dma_wait3A_505 = arith.constant 0 : i32
      %dma_wait3A_506 = arith.constant 0 : i32
      %dma_wait3A_507 = arith.constant 0 : i32
      %dma_wait3A_508 = tpu.memref_slice %arg6[%rem3A_296, %dma_wait3A_505, %dma_wait3A_506, %dma_wait3A_507] : memref<2x16x50x32xf32, #tpu.memory_space<vmem>> -> memref<1x16x50x32xf32, #tpu.memory_space<vmem>>
      %dma_wait3A_509 = tpu.memref_squeeze %dma_wait3A_508 : memref<1x16x50x32xf32, #tpu.memory_space<vmem>> -> memref<16x50x32xf32, #tpu.memory_space<vmem>>
      %dma_wait3A_510 = arith.constant 0 : i32
      %dma_wait3A_511 = arith.constant 0 : i32
      %dma_wait3A_512 = tpu.memref_slice %dma_wait3A_509[%dma_wait3A_504, %dma_wait3A_510, %dma_wait3A_511] : memref<16x50x32xf32, #tpu.memory_space<vmem>> -> memref<1x50x32xf32, #tpu.memory_space<vmem>>
      %dma_wait3A_513 = tpu.memref_squeeze %dma_wait3A_512 : memref<1x50x32xf32, #tpu.memory_space<vmem>> -> memref<50x32xf32, #tpu.memory_space<vmem>>
      %dma_wait3A_514 = arith.constant 0 : i32
      %dma_wait3A_515 = tpu.memref_slice %arg5[%add3A_503, %dma_wait3A_514] : memref<512x50xi32, #tpu.memory_space<vmem>> -> memref<1x50xi32, #tpu.memory_space<vmem>>
      %dma_wait3A_516 = tpu.memref_squeeze %dma_wait3A_515 : memref<1x50xi32, #tpu.memory_space<vmem>> -> memref<50xi32, #tpu.memory_space<vmem>>
      %dma_wait3A_517 = arith.constant 0 : i32
      %dma_wait3A_518 = arith.constant 0 : i32
      %dma_wait3A_519 = tpu.memref_slice %arg3[%dma_wait3A_517, %dma_wait3A_518] : memref<1000000x32xf32, #tpu.memory_space<hbm>> -> memref<1000000x32xf32, #tpu.memory_space<hbm>>
      tpu.wait_indirect_dma semaphore(%arg7 : memref<!tpu.dma_semaphore, #tpu.memory_space<semaphore_mem>>) src(%dma_wait3A_519 : memref<1000000x32xf32, #tpu.memory_space<hbm>>) dst(%dma_wait3A_513 : memref<50x32xf32, #tpu.memory_space<vmem>>)
      %mul3A_520 = arith.constant 16 : i32
      %mul3A_521 = arith.muli %scan3A_295, %mul3A_520 : i32
      %add3A_522 = arith.constant 11 : i32
      %add3A_523 = arith.addi %mul3A_521, %add3A_522 : i32
      %dma_wait3A_524 = arith.constant 11 : i32
      %dma_wait3A_525 = arith.constant 0 : i32
      %dma_wait3A_526 = arith.constant 0 : i32
      %dma_wait3A_527 = arith.constant 0 : i32
      %dma_wait3A_528 = tpu.memref_slice %arg6[%rem3A_296, %dma_wait3A_525, %dma_wait3A_526, %dma_wait3A_527] : memref<2x16x50x32xf32, #tpu.memory_space<vmem>> -> memref<1x16x50x32xf32, #tpu.memory_space<vmem>>
      %dma_wait3A_529 = tpu.memref_squeeze %dma_wait3A_528 : memref<1x16x50x32xf32, #tpu.memory_space<vmem>> -> memref<16x50x32xf32, #tpu.memory_space<vmem>>
      %dma_wait3A_530 = arith.constant 0 : i32
      %dma_wait3A_531 = arith.constant 0 : i32
      %dma_wait3A_532 = tpu.memref_slice %dma_wait3A_529[%dma_wait3A_524, %dma_wait3A_530, %dma_wait3A_531] : memref<16x50x32xf32, #tpu.memory_space<vmem>> -> memref<1x50x32xf32, #tpu.memory_space<vmem>>
      %dma_wait3A_533 = tpu.memref_squeeze %dma_wait3A_532 : memref<1x50x32xf32, #tpu.memory_space<vmem>> -> memref<50x32xf32, #tpu.memory_space<vmem>>
      %dma_wait3A_534 = arith.constant 0 : i32
      %dma_wait3A_535 = tpu.memref_slice %arg5[%add3A_523, %dma_wait3A_534] : memref<512x50xi32, #tpu.memory_space<vmem>> -> memref<1x50xi32, #tpu.memory_space<vmem>>
      %dma_wait3A_536 = tpu.memref_squeeze %dma_wait3A_535 : memref<1x50xi32, #tpu.memory_space<vmem>> -> memref<50xi32, #tpu.memory_space<vmem>>
      %dma_wait3A_537 = arith.constant 0 : i32
      %dma_wait3A_538 = arith.constant 0 : i32
      %dma_wait3A_539 = tpu.memref_slice %arg3[%dma_wait3A_537, %dma_wait3A_538] : memref<1000000x32xf32, #tpu.memory_space<hbm>> -> memref<1000000x32xf32, #tpu.memory_space<hbm>>
      tpu.wait_indirect_dma semaphore(%arg7 : memref<!tpu.dma_semaphore, #tpu.memory_space<semaphore_mem>>) src(%dma_wait3A_539 : memref<1000000x32xf32, #tpu.memory_space<hbm>>) dst(%dma_wait3A_533 : memref<50x32xf32, #tpu.memory_space<vmem>>)
      %mul3A_540 = arith.constant 16 : i32
      %mul3A_541 = arith.muli %scan3A_295, %mul3A_540 : i32
      %add3A_542 = arith.constant 12 : i32
      %add3A_543 = arith.addi %mul3A_541, %add3A_542 : i32
      %dma_wait3A_544 = arith.constant 12 : i32
      %dma_wait3A_545 = arith.constant 0 : i32
      %dma_wait3A_546 = arith.constant 0 : i32
      %dma_wait3A_547 = arith.constant 0 : i32
      %dma_wait3A_548 = tpu.memref_slice %arg6[%rem3A_296, %dma_wait3A_545, %dma_wait3A_546, %dma_wait3A_547] : memref<2x16x50x32xf32, #tpu.memory_space<vmem>> -> memref<1x16x50x32xf32, #tpu.memory_space<vmem>>
      %dma_wait3A_549 = tpu.memref_squeeze %dma_wait3A_548 : memref<1x16x50x32xf32, #tpu.memory_space<vmem>> -> memref<16x50x32xf32, #tpu.memory_space<vmem>>
      %dma_wait3A_550 = arith.constant 0 : i32
      %dma_wait3A_551 = arith.constant 0 : i32
      %dma_wait3A_552 = tpu.memref_slice %dma_wait3A_549[%dma_wait3A_544, %dma_wait3A_550, %dma_wait3A_551] : memref<16x50x32xf32, #tpu.memory_space<vmem>> -> memref<1x50x32xf32, #tpu.memory_space<vmem>>
      %dma_wait3A_553 = tpu.memref_squeeze %dma_wait3A_552 : memref<1x50x32xf32, #tpu.memory_space<vmem>> -> memref<50x32xf32, #tpu.memory_space<vmem>>
      %dma_wait3A_554 = arith.constant 0 : i32
      %dma_wait3A_555 = tpu.memref_slice %arg5[%add3A_543, %dma_wait3A_554] : memref<512x50xi32, #tpu.memory_space<vmem>> -> memref<1x50xi32, #tpu.memory_space<vmem>>
      %dma_wait3A_556 = tpu.memref_squeeze %dma_wait3A_555 : memref<1x50xi32, #tpu.memory_space<vmem>> -> memref<50xi32, #tpu.memory_space<vmem>>
      %dma_wait3A_557 = arith.constant 0 : i32
      %dma_wait3A_558 = arith.constant 0 : i32
      %dma_wait3A_559 = tpu.memref_slice %arg3[%dma_wait3A_557, %dma_wait3A_558] : memref<1000000x32xf32, #tpu.memory_space<hbm>> -> memref<1000000x32xf32, #tpu.memory_space<hbm>>
      tpu.wait_indirect_dma semaphore(%arg7 : memref<!tpu.dma_semaphore, #tpu.memory_space<semaphore_mem>>) src(%dma_wait3A_559 : memref<1000000x32xf32, #tpu.memory_space<hbm>>) dst(%dma_wait3A_553 : memref<50x32xf32, #tpu.memory_space<vmem>>)
      %mul3A_560 = arith.constant 16 : i32
      %mul3A_561 = arith.muli %scan3A_295, %mul3A_560 : i32
      %add3A_562 = arith.constant 13 : i32
      %add3A_563 = arith.addi %mul3A_561, %add3A_562 : i32
      %dma_wait3A_564 = arith.constant 13 : i32
      %dma_wait3A_565 = arith.constant 0 : i32
      %dma_wait3A_566 = arith.constant 0 : i32
      %dma_wait3A_567 = arith.constant 0 : i32
      %dma_wait3A_568 = tpu.memref_slice %arg6[%rem3A_296, %dma_wait3A_565, %dma_wait3A_566, %dma_wait3A_567] : memref<2x16x50x32xf32, #tpu.memory_space<vmem>> -> memref<1x16x50x32xf32, #tpu.memory_space<vmem>>
      %dma_wait3A_569 = tpu.memref_squeeze %dma_wait3A_568 : memref<1x16x50x32xf32, #tpu.memory_space<vmem>> -> memref<16x50x32xf32, #tpu.memory_space<vmem>>
      %dma_wait3A_570 = arith.constant 0 : i32
      %dma_wait3A_571 = arith.constant 0 : i32
      %dma_wait3A_572 = tpu.memref_slice %dma_wait3A_569[%dma_wait3A_564, %dma_wait3A_570, %dma_wait3A_571] : memref<16x50x32xf32, #tpu.memory_space<vmem>> -> memref<1x50x32xf32, #tpu.memory_space<vmem>>
      %dma_wait3A_573 = tpu.memref_squeeze %dma_wait3A_572 : memref<1x50x32xf32, #tpu.memory_space<vmem>> -> memref<50x32xf32, #tpu.memory_space<vmem>>
      %dma_wait3A_574 = arith.constant 0 : i32
      %dma_wait3A_575 = tpu.memref_slice %arg5[%add3A_563, %dma_wait3A_574] : memref<512x50xi32, #tpu.memory_space<vmem>> -> memref<1x50xi32, #tpu.memory_space<vmem>>
      %dma_wait3A_576 = tpu.memref_squeeze %dma_wait3A_575 : memref<1x50xi32, #tpu.memory_space<vmem>> -> memref<50xi32, #tpu.memory_space<vmem>>
      %dma_wait3A_577 = arith.constant 0 : i32
      %dma_wait3A_578 = arith.constant 0 : i32
      %dma_wait3A_579 = tpu.memref_slice %arg3[%dma_wait3A_577, %dma_wait3A_578] : memref<1000000x32xf32, #tpu.memory_space<hbm>> -> memref<1000000x32xf32, #tpu.memory_space<hbm>>
      tpu.wait_indirect_dma semaphore(%arg7 : memref<!tpu.dma_semaphore, #tpu.memory_space<semaphore_mem>>) src(%dma_wait3A_579 : memref<1000000x32xf32, #tpu.memory_space<hbm>>) dst(%dma_wait3A_573 : memref<50x32xf32, #tpu.memory_space<vmem>>)
      %mul3A_580 = arith.constant 16 : i32
      %mul3A_581 = arith.muli %scan3A_295, %mul3A_580 : i32
      %add3A_582 = arith.constant 14 : i32
      %add3A_583 = arith.addi %mul3A_581, %add3A_582 : i32
      %dma_wait3A_584 = arith.constant 14 : i32
      %dma_wait3A_585 = arith.constant 0 : i32
      %dma_wait3A_586 = arith.constant 0 : i32
      %dma_wait3A_587 = arith.constant 0 : i32
      %dma_wait3A_588 = tpu.memref_slice %arg6[%rem3A_296, %dma_wait3A_585, %dma_wait3A_586, %dma_wait3A_587] : memref<2x16x50x32xf32, #tpu.memory_space<vmem>> -> memref<1x16x50x32xf32, #tpu.memory_space<vmem>>
      %dma_wait3A_589 = tpu.memref_squeeze %dma_wait3A_588 : memref<1x16x50x32xf32, #tpu.memory_space<vmem>> -> memref<16x50x32xf32, #tpu.memory_space<vmem>>
      %dma_wait3A_590 = arith.constant 0 : i32
      %dma_wait3A_591 = arith.constant 0 : i32
      %dma_wait3A_592 = tpu.memref_slice %dma_wait3A_589[%dma_wait3A_584, %dma_wait3A_590, %dma_wait3A_591] : memref<16x50x32xf32, #tpu.memory_space<vmem>> -> memref<1x50x32xf32, #tpu.memory_space<vmem>>
      %dma_wait3A_593 = tpu.memref_squeeze %dma_wait3A_592 : memref<1x50x32xf32, #tpu.memory_space<vmem>> -> memref<50x32xf32, #tpu.memory_space<vmem>>
      %dma_wait3A_594 = arith.constant 0 : i32
      %dma_wait3A_595 = tpu.memref_slice %arg5[%add3A_583, %dma_wait3A_594] : memref<512x50xi32, #tpu.memory_space<vmem>> -> memref<1x50xi32, #tpu.memory_space<vmem>>
      %dma_wait3A_596 = tpu.memref_squeeze %dma_wait3A_595 : memref<1x50xi32, #tpu.memory_space<vmem>> -> memref<50xi32, #tpu.memory_space<vmem>>
      %dma_wait3A_597 = arith.constant 0 : i32
      %dma_wait3A_598 = arith.constant 0 : i32
      %dma_wait3A_599 = tpu.memref_slice %arg3[%dma_wait3A_597, %dma_wait3A_598] : memref<1000000x32xf32, #tpu.memory_space<hbm>> -> memref<1000000x32xf32, #tpu.memory_space<hbm>>
      tpu.wait_indirect_dma semaphore(%arg7 : memref<!tpu.dma_semaphore, #tpu.memory_space<semaphore_mem>>) src(%dma_wait3A_599 : memref<1000000x32xf32, #tpu.memory_space<hbm>>) dst(%dma_wait3A_593 : memref<50x32xf32, #tpu.memory_space<vmem>>)
      %mul3A_600 = arith.constant 16 : i32
      %mul3A_601 = arith.muli %scan3A_295, %mul3A_600 : i32
      %add3A_602 = arith.constant 15 : i32
      %add3A_603 = arith.addi %mul3A_601, %add3A_602 : i32
      %dma_wait3A_604 = arith.constant 15 : i32
      %dma_wait3A_605 = arith.constant 0 : i32
      %dma_wait3A_606 = arith.constant 0 : i32
      %dma_wait3A_607 = arith.constant 0 : i32
      %dma_wait3A_608 = tpu.memref_slice %arg6[%rem3A_296, %dma_wait3A_605, %dma_wait3A_606, %dma_wait3A_607] : memref<2x16x50x32xf32, #tpu.memory_space<vmem>> -> memref<1x16x50x32xf32, #tpu.memory_space<vmem>>
      %dma_wait3A_609 = tpu.memref_squeeze %dma_wait3A_608 : memref<1x16x50x32xf32, #tpu.memory_space<vmem>> -> memref<16x50x32xf32, #tpu.memory_space<vmem>>
      %dma_wait3A_610 = arith.constant 0 : i32
      %dma_wait3A_611 = arith.constant 0 : i32
      %dma_wait3A_612 = tpu.memref_slice %dma_wait3A_609[%dma_wait3A_604, %dma_wait3A_610, %dma_wait3A_611] : memref<16x50x32xf32, #tpu.memory_space<vmem>> -> memref<1x50x32xf32, #tpu.memory_space<vmem>>
      %dma_wait3A_613 = tpu.memref_squeeze %dma_wait3A_612 : memref<1x50x32xf32, #tpu.memory_space<vmem>> -> memref<50x32xf32, #tpu.memory_space<vmem>>
      %dma_wait3A_614 = arith.constant 0 : i32
      %dma_wait3A_615 = tpu.memref_slice %arg5[%add3A_603, %dma_wait3A_614] : memref<512x50xi32, #tpu.memory_space<vmem>> -> memref<1x50xi32, #tpu.memory_space<vmem>>
      %dma_wait3A_616 = tpu.memref_squeeze %dma_wait3A_615 : memref<1x50xi32, #tpu.memory_space<vmem>> -> memref<50xi32, #tpu.memory_space<vmem>>
      %dma_wait3A_617 = arith.constant 0 : i32
      %dma_wait3A_618 = arith.constant 0 : i32
      %dma_wait3A_619 = tpu.memref_slice %arg3[%dma_wait3A_617, %dma_wait3A_618] : memref<1000000x32xf32, #tpu.memory_space<hbm>> -> memref<1000000x32xf32, #tpu.memory_space<hbm>>
      tpu.wait_indirect_dma semaphore(%arg7 : memref<!tpu.dma_semaphore, #tpu.memory_space<semaphore_mem>>) src(%dma_wait3A_619 : memref<1000000x32xf32, #tpu.memory_space<hbm>>) dst(%dma_wait3A_613 : memref<50x32xf32, #tpu.memory_space<vmem>>)
      %mul3A_620 = arith.constant 16 : i32
      %mul3A_621 = arith.muli %scan3A_295, %mul3A_620 : i32
      %add3A_622 = arith.addi %mul3A_2, %mul3A_621 : i32
      "tpu.region"() ({
        %run_scoped3A = tpu.sem_alloc : memref<!tpu.dma_semaphore, #tpu.memory_space<semaphore_mem>>
        %dma_start3A_623 = arith.constant 0 : i32
        %dma_start3A_624 = arith.constant 0 : i32
        %dma_start3A_625 = arith.constant 0 : i32
        %dma_start3A_626 = tpu.memref_slice %arg6[%rem3A_296, %dma_start3A_623, %dma_start3A_624, %dma_start3A_625] : memref<2x16x50x32xf32, #tpu.memory_space<vmem>> -> memref<1x16x50x32xf32, #tpu.memory_space<vmem>>
        %dma_start3A_627 = tpu.memref_squeeze %dma_start3A_626 : memref<1x16x50x32xf32, #tpu.memory_space<vmem>> -> memref<16x50x32xf32, #tpu.memory_space<vmem>>
        %dma_start3A_628 = arith.constant 0 : i32
        %dma_start3A_629 = arith.constant 0 : i32
        %dma_start3A_630 = tpu.memref_slice %arg4[%add3A_622, %dma_start3A_628, %dma_start3A_629] : memref<16384x50x32xf32, #tpu.memory_space<hbm>> -> memref<16x50x32xf32, #tpu.memory_space<hbm>>
        %dma_start3A_631 = arith.constant 0 : i32
        %dma_start3A_632 = arith.constant 0 : i32
        %dma_start3A_633 = tpu.memref_slice %arg4[%add3A_622, %dma_start3A_631, %dma_start3A_632] : memref<16384x50x32xf32, #tpu.memory_space<hbm>> -> memref<16x50x32xf32, #tpu.memory_space<hbm>>
        %dma_start3A_634 = arith.constant 0 : i32
        %dma_start3A_635 = arith.constant 0 : i32
        %dma_start3A_636 = arith.constant 0 : i32
        %dma_start3A_637 = tpu.memref_slice %arg6[%rem3A_296, %dma_start3A_634, %dma_start3A_635, %dma_start3A_636] : memref<2x16x50x32xf32, #tpu.memory_space<vmem>> -> memref<1x16x50x32xf32, #tpu.memory_space<vmem>>
        %dma_start3A_638 = tpu.memref_squeeze %dma_start3A_637 : memref<1x16x50x32xf32, #tpu.memory_space<vmem>> -> memref<16x50x32xf32, #tpu.memory_space<vmem>>
        tpu.enqueue_dma source(%dma_start3A_638 : memref<16x50x32xf32, #tpu.memory_space<vmem>>) target(%dma_start3A_633 : memref<16x50x32xf32, #tpu.memory_space<hbm>>) target_semaphore(%run_scoped3A : memref<!tpu.dma_semaphore, #tpu.memory_space<semaphore_mem>>)
        %dma_wait3A_639 = arith.constant 0 : i32
        %dma_wait3A_640 = arith.constant 0 : i32
        %dma_wait3A_641 = arith.constant 0 : i32
        %dma_wait3A_642 = tpu.memref_slice %arg6[%rem3A_296, %dma_wait3A_639, %dma_wait3A_640, %dma_wait3A_641] : memref<2x16x50x32xf32, #tpu.memory_space<vmem>> -> memref<1x16x50x32xf32, #tpu.memory_space<vmem>>
        %dma_wait3A_643 = tpu.memref_squeeze %dma_wait3A_642 : memref<1x16x50x32xf32, #tpu.memory_space<vmem>> -> memref<16x50x32xf32, #tpu.memory_space<vmem>>
        %dma_wait3A_644 = arith.constant 0 : i32
        %dma_wait3A_645 = arith.constant 0 : i32
        %dma_wait3A_646 = tpu.memref_slice %arg4[%add3A_622, %dma_wait3A_644, %dma_wait3A_645] : memref<16384x50x32xf32, #tpu.memory_space<hbm>> -> memref<16x50x32xf32, #tpu.memory_space<hbm>>
        %dma_wait3A_647 = arith.constant 0 : i32
        %dma_wait3A_648 = arith.constant 0 : i32
        %dma_wait3A_649 = tpu.memref_slice %arg4[%add3A_622, %dma_wait3A_647, %dma_wait3A_648] : memref<16384x50x32xf32, #tpu.memory_space<hbm>> -> memref<16x50x32xf32, #tpu.memory_space<hbm>>
        %dma_wait3A_650 = arith.constant 0 : i32
        %dma_wait3A_651 = arith.constant 0 : i32
        %dma_wait3A_652 = arith.constant 0 : i32
        %dma_wait3A_653 = tpu.memref_slice %arg6[%rem3A_296, %dma_wait3A_650, %dma_wait3A_651, %dma_wait3A_652] : memref<2x16x50x32xf32, #tpu.memory_space<vmem>> -> memref<1x16x50x32xf32, #tpu.memory_space<vmem>>
        %dma_wait3A_654 = tpu.memref_squeeze %dma_wait3A_653 : memref<1x16x50x32xf32, #tpu.memory_space<vmem>> -> memref<16x50x32xf32, #tpu.memory_space<vmem>>
        tpu.wait_dma2 semaphore(%run_scoped3A : memref<!tpu.dma_semaphore, #tpu.memory_space<semaphore_mem>>) src(%dma_wait3A_654 : memref<16x50x32xf32, #tpu.memory_space<vmem>>) dst(%dma_wait3A_649 : memref<16x50x32xf32, #tpu.memory_space<hbm>>)
        tpu.yield
      }) : () -> ()
    }
    %scan3A_294 = arith.constant 32 : i32
    return
  }
}

</mosaic_0001>

<sc_bundles>
// kernel: kernel.3.cloned.1.call-start
scs
__scs_entry_jumppad:
0x0: {  	(pc) =	sbr.rel $0x88, $3  }
0x1: {  	(tag) =	ssettag $0x0;
	lr =	simm.s32 $0x1  }
0x2: {  	[smem:$0x3F9F] =	sst lr;
	_ =	strace $0xD0000000  }
0x3: {  	_ = 	snop  }
0x4: {  	_ = 	snop  }
0x5: {  	_ = 	snop  }
0x6: {  	_ = 	snop  }
0x7: {  	_ = 	snop  }
__scs_overlays_trampoline_lowered:
0x8: {  	[smem:$0x3FAE] =	sst s0  }
0x9: {  	[smem:$0x3FAF] =	sst s1  }
0xa: {  	[smem:$0x3FB0] =	sst s2  }
0xb: {  	[smem:$0x3FB1] =	sst s3  }
0xc: {  	[smem:$0x3FB2] =	sst s4  }
0xd: {  	[smem:$0x3FB3] =	sst s5  }
0xe: {  	[smem:$0x3FB4] =	sst s6  }
0xf: {  	[smem:$0x3FB5] =	sst s7  }
0x10: {  	[smem:$0x3FB6] =	sst s8  }
0x11: {  	[smem:$0x3FB7] =	sst s9;
	s0 =	simm.s32 @!p0 $0x0  }
0x12: {  	s1 =	sld [smem:$0x3F9D];
	s0 =	simm.s32 @p0 $0x1  }
0x13: {  	[smem:$0x3FB8] =	sst s0;
	s0 =	simm.s32 @!p1 $0x0  }
0x14: {  	s2 =	sld [smem:$0x3F9C];
	s0 =	simm.s32 @p1 $0x1  }
0x15: {  	[smem:$0x3FB9] =	sst s0;
	s0 =	simm.s32 @!p2 $0x0  }
0x16: {  	s3 =	sld [smem:$0x3FDB];
	s0 =	simm.s32 @p2 $0x1  }
0x17: {  	s4 =	simm.s32 $0x1BF5;
	[smem:$0x3FBB] =	sst s0  }
0x18: {  	s0 =	sld [smem:$0x3F9E];
	_ =	swait.ge [sflag:s4], $0x0  }
0x19: {  	s7 =	sld [smem:$0x3F9F]  }
0x1a: {  	s8 =	sadd.s32 $0xFFFFE003, lr  }
0x1b: {  	s9 =	sadd.s32 $0xFFFFFEF7, lr;
	s5 =	simm.s32 $0xFFFFFFFF;
	p2 =	slt.u32 s8, $0xFFFFF086  }
0x1c: {  	p1 =	slt.u32 s9, $0xF7A;
	s5 =	simm.s32 @!p2 $0x0  }
0x1d: {  	s5 =	simm.s32 @p1 $0x1;
	p0 =	seq.s32 s7, s2  }
0x1e: {  	s7 =	smul.u32 @!p0 $0xF7A, s2;
	p2 =	seq.s32 @!p0 s5, $0x0  }
0x1f: {  	s9 =	smul.u32 $0xF7A, s1;
	s8 =	simm.s32 @!p0 $0x1BF5;
	p2 =	por !p2, p0  }
0x20: {  	[sflag:s8] =	ssyncset.s32 @!p0 $0xFFFFF086;
	s6 =	sadd.s32 @!p0 s3, s7;
	s7 =	simm.s32 @!p0 $0x108  }
0x21: {  	s3 =	sadd.s32 s3, s9;
	s6 =	sadd.s32 @!p0 $0x88, s6;
	s7 =	simm.s32 @p2 $0x1082  }
0x22: {  	[simem:s7], [sflag:s8] =	dma.local @!p0 [hbm:s6], $0xF7A  }
0x23: {  	s9 =	sor.u32 $0xD0000000, s2;
	s6 =	simm.s32 $0x108;
	_ =	swait.ge @!p0 [sflag:s8], $0x0  }
0x24: {  	s3 =	sadd.s32 $0x88, s3;
	s6 =	simm.s32 @!p1 $0x1082;
	[sflag:s4] =	ssyncset.s32 $0xFFFFF086  }
0x25: {  	[simem:s6], [sflag:s4] =	dma.local [hbm:s3], $0xF7A  }
0x26: {  	[smem:$0x3F9F] =	sst s1;
	(tag) =	ssettag s2;
	_ =	strace s9  }
0x27: {  	s1 =	sld [smem:$0x3FAF]  }
0x28: {  	s2 =	sld [smem:$0x3FB0]  }
0x29: {  	s4 =	sld [smem:$0x3FB2]  }
0x2a: {  	p0 =	seq.s32 s5, $0x0;
	s5 =	sld [smem:$0x3FB3]  }
0x2b: {  	s6 =	sld [smem:$0x3FB4]  }
0x2c: {  	s7 =	sld [smem:$0x3FB5]  }
0x2d: {  	s3 =	simm.s32 $0x108;
	s8 =	sld [smem:$0x3FB6]  }
0x2e: {  	s3 =	simm.s32 @!p0 $0x1082;
	s9 =	sld [smem:$0x3FB7]  }
0x2f: {  	lr =	sadd.s32 s0, s3;
	s0 =	sld [smem:$0x3FAE]  }
0x30: {  	s3 =	sld [smem:$0x3FB1]  }
0x31: {  	[smem:$0x3FBA] =	sst s10  }
0x32: {  	s10 =	sld [smem:$0x3FB8];
	_ =	sdelay $0x3  }
0x33: {  	p0 =	seq.s32 s10, $0x1;
	s10 =	sld [smem:$0x3FBA];
	_ =	sdelay $0x3  }
0x34: {  	[smem:$0x3FBA] =	sst s10  }
0x35: {  	s10 =	sld [smem:$0x3FB9];
	_ =	sdelay $0x3  }
0x36: {  	p1 =	seq.s32 s10, $0x1;
	s10 =	sld [smem:$0x3FBA];
	_ =	sdelay $0x3  }
0x37: {  	[smem:$0x3FBA] =	sst s10  }
0x38: {  	s10 =	sld [smem:$0x3FBB]  }
0x39: {  	_ = 	snop;
	(pc) =	sbr.ind lr, $3  }
0x3a: {  	_ = 	snop  }
0x3b: {  	_ = 	snop  }
0x3c: {  	p2 =	seq.s32 s10, $0x1;
	s10 =	sld [smem:$0x3FBA]  }
0x3d: {  	_ =	shalt  }
0x3e: {  	_ =	shalt  }
0x3f: {  	_ =	shalt  }
0x40: {  	_ =	shalt  }
0x41: {  	_ =	shalt  }
0x42: {  	_ =	shalt  }
0x43: {  	_ =	shalt  }
0x44: {  	_ =	shalt  }
0x45: {  	_ =	shalt  }
0x46: {  	_ =	shalt  }
0x47: {  	_ =	shalt  }
0x48: {  	_ =	shalt  }
0x49: {  	_ =	shalt  }
0x4a: {  	_ =	shalt  }
0x4b: {  	_ =	shalt  }
0x4c: {  	_ =	shalt  }
0x4d: {  	_ =	shalt  }
0x4e: {  	_ =	shalt  }
0x4f: {  	_ =	shalt  }
0x50: {  	_ =	shalt  }
0x51: {  	_ =	shalt  }
0x52: {  	_ =	shalt  }
0x53: {  	_ =	shalt  }
0x54: {  	_ =	shalt  }
0x55: {  	_ =	shalt  }
0x56: {  	_ =	shalt  }
0x57: {  	_ =	shalt  }
0x58: {  	_ =	shalt  }
0x59: {  	_ =	shalt  }
0x5a: {  	_ =	shalt  }
0x5b: {  	_ =	shalt  }
0x5c: {  	_ =	shalt  }
0x5d: {  	_ =	shalt  }
0x5e: {  	_ =	shalt  }
0x5f: {  	_ =	shalt  }
0x60: {  	_ =	shalt  }
0x61: {  	_ =	shalt  }
0x62: {  	_ =	shalt  }
0x63: {  	_ =	shalt  }
0x64: {  	_ =	shalt  }
0x65: {  	_ =	shalt  }
0x66: {  	_ =	shalt  }
0x67: {  	_ =	shalt  }
0x68: {  	_ =	shalt  }
0x69: {  	_ =	shalt  }
0x6a: {  	_ =	shalt  }
0x6b: {  	_ =	shalt  }
0x6c: {  	_ =	shalt  }
0x6d: {  	_ =	shalt  }
0x6e: {  	_ =	shalt  }
0x6f: {  	_ =	shalt  }
0x70: {  	_ =	shalt  }
0x71: {  	_ =	shalt  }
0x72: {  	_ =	shalt  }
0x73: {  	_ =	shalt  }
0x74: {  	_ =	shalt  }
0x75: {  	_ =	shalt  }
0x76: {  	_ =	shalt  }
0x77: {  	_ =	shalt  }
0x78: {  	_ =	shalt  }
0x79: {  	_ =	shalt  }
0x7a: {  	_ =	shalt  }
0x7b: {  	_ =	shalt  }
0x7c: {  	_ =	shalt  }
0x7d: {  	_ =	shalt  }
0x7e: {  	_ =	shalt  }
0x7f: {  	_ =	shalt  }
0x80: {  	_ =	shalt  }
0x81: {  	_ =	shalt  }
0x82: {  	_ =	shalt  }
0x83: {  	_ =	shalt  }
0x84: {  	_ =	shalt  }
0x85: {  	_ =	shalt  }
0x86: {  	_ =	shalt  }
0x87: {  	_ =	shalt  }
.Lfunc_end0:
.L_simem_size_0:
called_computation.1_lowered:
.L_overlay_start_0:
0x88: {  	s2 =	sld [smem:$0x3FD9]  }
0x89: {  	s3 =	sld [smem:$0x3FFE];
	_ =	sdelay $0x1  }
0x8a: {  	s1 =	srdreg.scid  }
0x8b: {  	s0 =	sand.u32 $0x1, s1  }
0x8c: {  	s17 =	sshll.u32 s0, $0xA;
	s2 =	sadd.s32 s3, s2  }
0x8d: {  	s2 =	sadd.s32 s2, s17  }
0x8e: {  	[smem:$0x3FC6] =	sst s2  }
0x8f: {  	_ = 	snop  }
0x90: {  	s2 =	sld [smem:$0x3FD0];
	(tm) =	ssettm $0x1  }
0x91: {  	s18 =	sld [smem:$0x3FFB];
	_ =	sdelay $0x3  }
0x92: {  	_ =	strace s18  }
0x93: {  	s3 =	sld [smem:$0x3FFC];
	_ =	sdelay $0x3  }
0x94: {  	_ =	strace s3  }
0x95: {  	s3 =	sld [smem:$0x3FFD];
	_ =	sdelay $0x3  }
0x96: {  	_ =	strace s3  }
0x97: {  	_ =	strace $0x8FFFFFFF  }
0x98: {  	s19 =	sld [smem:$0x3FDB];
	_ =	sdelay $0x1  }
0x99: {  	s4 =	simm.s32 $_scs_section_size  }
0x9a: {  	s5 =	simm.s32 $_size__tile_overlayer_lowered;
	s6 =	simm.s32 $_tile_overlayer_lowered  }
0x9b: {  	s22 =	simm.s32 $0x1BFF;
	s21 =	sshll.u32 s6, $0x1;
	s3 =	sadd.s32 s4, s19  }
0x9c: {  	s7 =	simm.s32 $0x0;
	s20 =	sshll.u32 s5, $0x1;
	s5 =	sadd.s32 s21, s3  }
0x9d: {  	[timem:s7], [sflag:s22] =	dma.local [hbm:s5], s20  }
0x9e: {  	_ =	swait.ge [sflag:s22], s20  }
0x9f: {  	s4 =	ssub.s32 $0x0, s20;
	[sflag:s22] =	ssyncset.done $0x0  }
0xa0: {  	[sflag:s22] =	ssyncadd.s32 s4;
	_ =	sdelay $0x1  }
0xa1: {  	s23 =	simm.s32 $0x1B8B  }
0xa2: {  	_ =	swait.ge [sflag:s23], $0x1  }
0xa3: {  	[sflag:s23] =	ssyncset.done $0x0  }
0xa4: {  	s25 =	simm.s32 $0x1B8E;
	s24 =	sld [smem:$0x3FFE];
	[sflag:s23] =	ssyncadd.s32 $0xFFFFFFFF  }
0xa5: {  	s26 =	simm.s32 $execute0_lowered;
	[smem:$0x3FD2] =	sst s25  }
0xa6: {  	s5 =	sshll.u32 s26, $0x1;
	_ =	strace $0x80000046;
	[dreg:$0x1] =	wrdreg $0xFFFFFFFF  }
0xa7: {  	s28 =	simm.s32 $_size_execute0_lowered;
	s3 =	sadd.s32 s3, s5;
	[dreg:$0x0] =	wrdreg $0x0  }
0xa8: {  	s5 =	sshll.u32 s28, $0x1;
	[dreg:$0x2] =	wrdreg s3  }
0xa9: {  	[dreg:$0x3] =	wrdreg s5  }
0xaa: {  	[dreg:$0x4] =	wrdreg $0xC0  }
0xab: {  	_ =	task [dreg:s7], $0x5FFFF  }
0xac: {  	[dreg:$0x1] =	wrdreg $0xFFFFFFFF  }
0xad: {  	[dreg:$0x0] =	wrdreg $0x60  }
0xae: {  	[dreg:$0x2] =	wrdreg s24  }
0xaf: {  	[dreg:$0x3] =	wrdreg s2  }
0xb0: {  	[dreg:$0x4] =	wrdreg $0x9  }
0xb1: {  	_ =	task.clear_ibuf [dreg:s7], $0x5FFFF;
	_ =	strace $0x90000046  }
0xb2: {  	s29 =	simm.s32 $0x9;
	_ =	strace $0x80000048  }
0xb3: {  	_ =	swait.ge [sflag:s29], $0x1  }
0xb4: {  	[sflag:s29] =	ssyncadd.s32 $0xFFFFFFFF  }
0xb5: {  	_ =	strace $0x90000048  }
0xb6: {  	_ =	sfence  }
0xb7: {  	s30 =	sld [smem:$0x0];
	_ =	sdelay $0x2  }
0xb8: {  	s31 =	sshll.u32 s1, $0xD;
	s1 =	sshrl.u32 s1, $0x2  }
0xb9: {  	s3 =	sand.u32 $0x4000, s31;
	s1 =	sadd.s32 s1, s30  }
0xba: {  	s0 =	sor.u32 s3, s0;
	s1 =	sshll.u32 s1, $0x11  }
0xbb: {  	s0 =	sor.u32 s1, s0  }
0xbc: {  	s0 =	sadd.s32 $0x8F2B, s0  }
0xbd: {  	[sflag:s0] =	ssyncadd.remote.s32 $0x1  }
0xbe: {  	_ =	sfence.sel $0xFFFF  }
0xbf: {  	[dreg:$0x0] =	wrdreg $0xFFFFFFFF;
	(pc) =	sbr.abs _section_cstart, $3  }
0xc0: {  	[dreg:$0x1] =	wrdreg $0xFFFFFFFF  }
0xc1: {  	_ =	task.clear_ibuf [dreg:s7], $0x2FFFF;
	_ =	strace $0x9FFFFFFF  }
0xc2: {  	(tm) =	ssettm $0x7FFFFFFF  }
0xc3: {  	_ =	shalt  }
tec
execute0_lowered:
.L_overlay_start_1:
0x0: {  	(tag) =	ssettag $0x1  }
0x1: {  	s0 =	srdreg.scid;
	s1 =	rddreg [dreg:$0x0]  }
0x2: {  	s8 =	stileid.u32;
	s6 =	rddreg [dreg:$0x1]  }
0x3: {  	s2 =	simm.s32 $0x0;
	s15 =	simm.s32 $0xCDC0;
	s16 =	simm.s32 $0x1  }
0x4: {  	s17 =	simm.s32 $0x0;
	s0 =	sand.u32 $0x1, s0;
	s3 =	sshll.u32 s8, $0xA  }
0x5: {  	[smem:$0x7FF] =	sst s2;
	s8 =	smul.u32 $0x32000, s8;
	s4 =	sshll.u32 s0, $0x9  }
0x6: {  	s29 =	ssub.s32 $0x2, s0;
	s0 =	smul.u32 $0x19000, s0;
	s3 =	sor.u32 s4, s3  }
0x7: {  	_ =	strace $0x80000047;
	s7 =	sshrl.u32 s29, $0x1;
	s3 =	smul.u32 $0x7, s3  }
0x8: {  	s31 =	sadd.s32 s8, s6;
	s8 =	simm.s32 $0x32;
	s30 =	ssub.s32 s29, s7  }
0x9: {  	s6 =	sadd.s32 s0, s31;
	s7 =	simm.s32 $0x2;
	s5 =	sadd.s32 s3, s1  }
0xa: {  	s3 =	sadd.s32 $0xF42E00, s1;
	s4 =	sadd.s32 $0xA00, s5;
	s5 =	smax.u32 s30, $0x1  }
.LBB2_1:
0xb: {  	[tilespmem:s2], [sflag:$0x2] =	stream.linear.gather [hbm4b:s4+s2], $0x7000, $0x38;
	[tilespmem:$0x13800] =	vst v63  }
0xc: {  	_ =	swait.ge [sflag:s7], $0x7000  }
0xd: {  	[sflag:s7] =	ssyncset.done $0x0  }
0xe: {  	s0 =	simm.s32 $0x7000;
	[sflag:s7] =	ssyncadd.s32 $0xFFFF9000  }
0xf: {  	[tilespmem:s0], [sflag:$0x1] =	stream.indirect.gather [hbm4b:s3+s8], $0x20, s2, s8, $0xb8;
	[tilespmem:$0x13800] =	vst v63  }
0x10: {  	s22 =	simm.s32 $0x38;
	s1 =	simm.s32 $0x7640  }
0x11: {  	[tilespmem:s1], [sflag:$0x1] =	stream.indirect.gather [hbm4b:s3+s8], $0x20, s22, s8, $0xb8;
	[tilespmem:$0x13800] =	vst v63  }
0x12: {  	s23 =	simm.s32 $0x70;
	s24 =	simm.s32 $0x7C80  }
0x13: {  	[tilespmem:s24], [sflag:$0x1] =	stream.indirect.gather [hbm4b:s3+s8], $0x20, s23, s8, $0xb8;
	[tilespmem:$0x13800] =	vst v63  }
0x14: {  	s25 =	simm.s32 $0xA8;
	s26 =	simm.s32 $0x82C0  }
0x15: {  	[tilespmem:s26], [sflag:$0x1] =	stream.indirect.gather [hbm4b:s3+s8], $0x20, s25, s8, $0xb8;
	[tilespmem:$0x13800] =	vst v63  }
0x16: {  	s28 =	simm.s32 $0xE0;
	s29 =	simm.s32 $0x8900  }
0x17: {  	[tilespmem:s29], [sflag:$0x1] =	stream.indirect.gather [hbm4b:s3+s8], $0x20, s28, s8, $0xb8;
	[tilespmem:$0x13800] =	vst v63  }
0x18: {  	s30 =	simm.s32 $0x118;
	s31 =	simm.s32 $0x8F40  }
0x19: {  	[tilespmem:s31], [sflag:$0x1] =	stream.indirect.gather [hbm4b:s3+s8], $0x20, s30, s8, $0xb8;
	[tilespmem:$0x13800] =	vst v63  }
0x1a: {  	s9 =	simm.s32 $0x9580;
	s1 =	simm.s32 $0x150  }
0x1b: {  	[tilespmem:s9], [sflag:$0x1] =	stream.indirect.gather [hbm4b:s3+s8], $0x20, s1, s8, $0xb8;
	[tilespmem:$0x13800] =	vst v63  }
0x1c: {  	s10 =	simm.s32 $0x188;
	s11 =	simm.s32 $0x9BC0  }
0x1d: {  	[tilespmem:s11], [sflag:$0x1] =	stream.indirect.gather [hbm4b:s3+s8], $0x20, s10, s8, $0xb8;
	[tilespmem:$0x13800] =	vst v63  }
0x1e: {  	s12 =	simm.s32 $0x1C0;
	s13 =	simm.s32 $0xA200  }
0x1f: {  	[tilespmem:s13], [sflag:$0x1] =	stream.indirect.gather [hbm4b:s3+s8], $0x20, s12, s8, $0xb8;
	[tilespmem:$0x13800] =	vst v63  }
0x20: {  	s14 =	simm.s32 $0x1F8;
	s18 =	simm.s32 $0xA840  }
0x21: {  	[tilespmem:s18], [sflag:$0x1] =	stream.indirect.gather [hbm4b:s3+s8], $0x20, s14, s8, $0xb8;
	[tilespmem:$0x13800] =	vst v63  }
0x22: {  	s19 =	simm.s32 $0x230;
	s20 =	simm.s32 $0xAE80  }
0x23: {  	[tilespmem:s20], [sflag:$0x1] =	stream.indirect.gather [hbm4b:s3+s8], $0x20, s19, s8, $0xb8;
	[tilespmem:$0x13800] =	vst v63  }
0x24: {  	s21 =	simm.s32 $0x268;
	p0 =	por $0x0, $0x0;
	s22 =	simm.s32 $0xB4C0  }
0x25: {  	[tilespmem:s22], [sflag:$0x1] =	stream.indirect.gather [hbm4b:s3+s8], $0x20, s21, s8, $0xb8;
	[tilespmem:$0x13800] =	vst v63  }
0x26: {  	s23 =	simm.s32 $0x2A0;
	s24 =	simm.s32 $0xBB00;
	s18 =	sand.u32 $0x1, s2  }
0x27: {  	[tilespmem:s24], [sflag:$0x1] =	stream.indirect.gather [hbm4b:s3+s8], $0x20, s23, s8, $0xb8;
	[tilespmem:$0x13800] =	vst v63  }
0x28: {  	s25 =	simm.s32 $0x2D8;
	s26 =	simm.s32 $0xC140;
	s19 =	sxor.u32 @!p0 $0x1, s18  }
0x29: {  	[tilespmem:s26], [sflag:$0x1] =	stream.indirect.gather [hbm4b:s3+s8], $0x20, s25, s8, $0xb8;
	[tilespmem:$0x13800] =	vst v63  }
0x2a: {  	s28 =	simm.s32 $0x310;
	s29 =	simm.s32 $0xC780;
	s19 =	smul.u32 @!p0 $0x19000, s19  }
0x2b: {  	[tilespmem:s29], [sflag:$0x1] =	stream.indirect.gather [hbm4b:s3+s8], $0x20, s28, s8, $0xb8;
	[tilespmem:$0x13800] =	vst v63  }
0x2c: {  	s30 =	simm.s32 $0x348;
	s19 =	sshrl.u32 @!p0 s19, $0x2  }
0x2d: {  	[tilespmem:s15], [sflag:$0x1] =	stream.indirect.gather [hbm4b:s3+s8], $0x20, s30, s8, $0xb8;
	[tilespmem:$0x13800] =	vst v63  }
0x2e: {  	s20 =	simm.s32 @!p0 $0x32;
	s21 =	simm.s32 @!p0 $0x380;
	s22 =	sadd.s32 @!p0 $0x7000, s19  }
0x2f: {  	[tilespmem:s22], [sflag:$0x1] =	stream.indirect.gather @!p0 [hbm4b:s3+s20], $0x20, s21, s20, $0xb8;
	[tilespmem:$0x13800] =	vst v63  }
0x30: {  	s21 =	sadd.s32 @!p0 $0x7640, s19;
	s22 =	simm.s32 @!p0 $0x3B8  }
0x31: {  	[tilespmem:s21], [sflag:$0x1] =	stream.indirect.gather @!p0 [hbm4b:s3+s20], $0x20, s22, s20, $0xb8;
	[tilespmem:$0x13800] =	vst v63  }
0x32: {  	s21 =	simm.s32 @!p0 $0x3F0;
	s22 =	sadd.s32 @!p0 $0x7C80, s19  }
0x33: {  	[tilespmem:s22], [sflag:$0x1] =	stream.indirect.gather @!p0 [hbm4b:s3+s20], $0x20, s21, s20, $0xb8;
	[tilespmem:$0x13800] =	vst v63  }
0x34: {  	s21 =	simm.s32 @!p0 $0x428;
	s22 =	sor.u32 @!p0 $0x82C0, s19  }
0x35: {  	[tilespmem:s22], [sflag:$0x1] =	stream.indirect.gather @!p0 [hbm4b:s3+s20], $0x20, s21, s20, $0xb8;
	[tilespmem:$0x13800] =	vst v63  }
0x36: {  	s21 =	sadd.s32 @!p0 $0x8900, s19;
	s22 =	simm.s32 @!p0 $0x460  }
0x37: {  	[tilespmem:s21], [sflag:$0x1] =	stream.indirect.gather @!p0 [hbm4b:s3+s20], $0x20, s22, s20, $0xb8;
	[tilespmem:$0x13800] =	vst v63  }
0x38: {  	s21 =	sadd.s32 @!p0 $0x8F40, s19;
	s22 =	simm.s32 @!p0 $0x498  }
0x39: {  	[tilespmem:s21], [sflag:$0x1] =	stream.indirect.gather @!p0 [hbm4b:s3+s20], $0x20, s22, s20, $0xb8;
	[tilespmem:$0x13800] =	vst v63  }
0x3a: {  	s21 =	sadd.s32 @!p0 $0x9580, s19;
	s22 =	simm.s32 @!p0 $0x4D0  }
0x3b: {  	[tilespmem:s21], [sflag:$0x1] =	stream.indirect.gather @!p0 [hbm4b:s3+s20], $0x20, s22, s20, $0xb8;
	[tilespmem:$0x13800] =	vst v63  }
0x3c: {  	s21 =	sadd.s32 @!p0 $0x9BC0, s19;
	s22 =	simm.s32 @!p0 $0x508  }
0x3d: {  	[tilespmem:s21], [sflag:$0x1] =	stream.indirect.gather @!p0 [hbm4b:s3+s20], $0x20, s22, s20, $0xb8;
	[tilespmem:$0x13800] =	vst v63  }
0x3e: {  	s21 =	sadd.s32 @!p0 $0xA200, s19;
	s22 =	simm.s32 @!p0 $0x540  }
0x3f: {  	[tilespmem:s21], [sflag:$0x1] =	stream.indirect.gather @!p0 [hbm4b:s3+s20], $0x20, s22, s20, $0xb8;
	[tilespmem:$0x13800] =	vst v63  }
0x40: {  	s21 =	sadd.s32 @!p0 $0xA840, s19;
	s22 =	simm.s32 @!p0 $0x578  }
0x41: {  	[tilespmem:s21], [sflag:$0x1] =	stream.indirect.gather @!p0 [hbm4b:s3+s20], $0x20, s22, s20, $0xb8;
	[tilespmem:$0x13800] =	vst v63  }
0x42: {  	s21 =	sadd.s32 @!p0 $0xAE80, s19;
	s22 =	simm.s32 @!p0 $0x5B0  }
0x43: {  	[tilespmem:s21], [sflag:$0x1] =	stream.indirect.gather @!p0 [hbm4b:s3+s20], $0x20, s22, s20, $0xb8;
	[tilespmem:$0x13800] =	vst v63  }
0x44: {  	s21 =	sadd.s32 @!p0 $0xB4C0, s19;
	s22 =	simm.s32 @!p0 $0x5E8  }
0x45: {  	[tilespmem:s21], [sflag:$0x1] =	stream.indirect.gather @!p0 [hbm4b:s3+s20], $0x20, s22, s20, $0xb8;
	[tilespmem:$0x13800] =	vst v63  }
0x46: {  	s21 =	sadd.s32 @!p0 $0xBB00, s19;
	s22 =	simm.s32 @!p0 $0x620  }
0x47: {  	[tilespmem:s21], [sflag:$0x1] =	stream.indirect.gather @!p0 [hbm4b:s3+s20], $0x20, s22, s20, $0xb8;
	[tilespmem:$0x13800] =	vst v63  }
0x48: {  	s21 =	sadd.s32 @!p0 $0xC140, s19;
	s22 =	simm.s32 @!p0 $0x658  }
0x49: {  	[tilespmem:s21], [sflag:$0x1] =	stream.indirect.gather @!p0 [hbm4b:s3+s20], $0x20, s22, s20, $0xb8;
	[tilespmem:$0x13800] =	vst v63  }
0x4a: {  	s21 =	sadd.s32 @!p0 $0xC780, s19;
	s22 =	simm.s32 @!p0 $0x690  }
0x4b: {  	[tilespmem:s21], [sflag:$0x1] =	stream.indirect.gather @!p0 [hbm4b:s3+s20], $0x20, s22, s20, $0xb8;
	[tilespmem:$0x13800] =	vst v63  }
0x4c: {  	s19 =	sadd.s32 @!p0 $0xCDC0, s19;
	s21 =	simm.s32 @!p0 $0x6C8  }
0x4d: {  	[tilespmem:s19], [sflag:$0x1] =	stream.indirect.gather @!p0 [hbm4b:s3+s20], $0x20, s21, s20, $0xb8;
	[tilespmem:$0x13800] =	vst v63  }
0x4e: {  	_ =	swait.ge [sflag:s16], $0x640  }
0x4f: {  	[sflag:s16] =	ssyncset.done $0x0  }
0x50: {  	[sflag:s16] =	ssyncadd.s32 $0xFFFFF9C0  }
0x51: {  	_ =	swait.ge [sflag:s16], $0x640  }
0x52: {  	[sflag:s16] =	ssyncset.done $0x0  }
0x53: {  	[sflag:s16] =	ssyncadd.s32 $0xFFFFF9C0  }
0x54: {  	_ =	swait.ge [sflag:s16], $0x640  }
0x55: {  	[sflag:s16] =	ssyncset.done $0x0  }
0x56: {  	[sflag:s16] =	ssyncadd.s32 $0xFFFFF9C0  }
0x57: {  	_ =	swait.ge [sflag:s16], $0x640  }
0x58: {  	[sflag:s16] =	ssyncset.done $0x0  }
0x59: {  	[sflag:s16] =	ssyncadd.s32 $0xFFFFF9C0  }
0x5a: {  	_ =	swait.ge [sflag:s16], $0x640  }
0x5b: {  	[sflag:s16] =	ssyncset.done $0x0  }
0x5c: {  	[sflag:s16] =	ssyncadd.s32 $0xFFFFF9C0  }
0x5d: {  	_ =	swait.ge [sflag:s16], $0x640  }
0x5e: {  	[sflag:s16] =	ssyncset.done $0x0  }
0x5f: {  	[sflag:s16] =	ssyncadd.s32 $0xFFFFF9C0  }
0x60: {  	_ =	swait.ge [sflag:s16], $0x640  }
0x61: {  	[sflag:s16] =	ssyncset.done $0x0  }
0x62: {  	[sflag:s16] =	ssyncadd.s32 $0xFFFFF9C0  }
0x63: {  	_ =	swait.ge [sflag:s16], $0x640  }
0x64: {  	[sflag:s16] =	ssyncset.done $0x0  }
0x65: {  	[sflag:s16] =	ssyncadd.s32 $0xFFFFF9C0  }
0x66: {  	_ =	swait.ge [sflag:s16], $0x640  }
0x67: {  	[sflag:s16] =	ssyncset.done $0x0  }
0x68: {  	[sflag:s16] =	ssyncadd.s32 $0xFFFFF9C0  }
0x69: {  	_ =	swait.ge [sflag:s16], $0x640  }
0x6a: {  	[sflag:s16] =	ssyncset.done $0x0  }
0x6b: {  	[sflag:s16] =	ssyncadd.s32 $0xFFFFF9C0  }
0x6c: {  	_ =	swait.ge [sflag:s16], $0x640  }
0x6d: {  	[sflag:s16] =	ssyncset.done $0x0  }
0x6e: {  	[sflag:s16] =	ssyncadd.s32 $0xFFFFF9C0  }
0x6f: {  	_ =	swait.ge [sflag:s16], $0x640  }
0x70: {  	[sflag:s16] =	ssyncset.done $0x0  }
0x71: {  	[sflag:s16] =	ssyncadd.s32 $0xFFFFF9C0  }
0x72: {  	_ =	swait.ge [sflag:s16], $0x640  }
0x73: {  	[sflag:s16] =	ssyncset.done $0x0  }
0x74: {  	[sflag:s16] =	ssyncadd.s32 $0xFFFFF9C0  }
0x75: {  	_ =	swait.ge [sflag:s16], $0x640  }
0x76: {  	s18 =	smul.u32 $0x19000, s18;
	[sflag:s16] =	ssyncset.done $0x0  }
0x77: {  	[sflag:s16] =	ssyncadd.s32 $0xFFFFF9C0  }
0x78: {  	s31 =	sshrl.u32 s18, $0x2;
	_ =	swait.ge [sflag:s16], $0x640  }
0x79: {  	s18 =	sadd.s32 $0xC80, s6;
	s22 =	sadd.s32 $0x7000, s31;
	[sflag:s16] =	ssyncset.done $0x0  }
0x7a: {  	s19 =	simm.s32 $0x1C00;
	s20 =	simm.s32 $0x1;
	[sflag:s16] =	ssyncadd.s32 $0xFFFFF9C0  }
0x7b: {  	p0 =	por $0x0, $0x0;
	s21 =	sand.u32 $0x1, s20;
	_ =	swait.ge [sflag:s16], $0x640  }
0x7c: {  	s23 =	simm.s32 @!p0 $0x380;
	s24 =	sxor.u32 @!p0 $0x1, s21;
	[sflag:s16] =	ssyncset.done $0x0  }
0x7d: {  	s25 =	simm.s32 @!p0 $0x700;
	s26 =	smul.u32 @!p0 $0x19000, s24;
	[sflag:s16] =	ssyncadd.s32 $0xFFFFF9C0  }
0x7e: {  	[hbm4b:s6+s2] =	stream.linear.scatter [tilespmem:s22], [sflag:$0x2], $0x6400, $0x38;
	[tilespmem:$0x13800] =	vst v63  }
0x7f: {  	s24 =	simm.s32 @!p0 $0x770;
	s22 =	simm.s32 @!p0 $0x32;
	_ =	swait.ge [sflag:s7], $0x6400  }
.LBB2_2:
0x80: {  	s26 =	sshrl.u32 @!p0 s26, $0x2;
	s28 =	sadd.s32 @!p0 $0x428, s23;
	[sflag:s7] =	ssyncset.done $0x0  }
0x81: {  	s29 =	sadd.s32 @!p0 $0x7000, s26;
	s30 =	sadd.s32 @!p0 $0x7640, s26;
	[sflag:s7] =	ssyncadd.s32 $0xFFFF9C00  }
0x82: {  	[tilespmem:s29], [sflag:$0x1] =	stream.indirect.gather @!p0 [hbm4b:s3+s22], $0x20, s25, s22, $0xb8;
	[tilespmem:$0x13800] =	vst v63  }
0x83: {  	s31 =	sor.u32 @!p0 $0x82C0, s26;
	s25 =	sadd.s32 @!p0 $0x3B8, s23;
	s29 =	sadd.s32 @!p0 $0x7C80, s26  }
0x84: {  	[tilespmem:s30], [sflag:$0x1] =	stream.indirect.gather @!p0 [hbm4b:s3+s22], $0x20, s25, s22, $0xb8;
	[tilespmem:$0x13800] =	vst v63  }
0x85: {  	s1 =	sadd.s32 @!p0 $0x8F40, s26;
	s25 =	sadd.s32 @!p0 $0x8900, s26;
	s30 =	sadd.s32 @!p0 $0x460, s23  }
0x86: {  	[tilespmem:s29], [sflag:$0x1] =	stream.indirect.gather @!p0 [hbm4b:s3+s22], $0x20, s24, s22, $0xb8;
	[tilespmem:$0x13800] =	vst v63  }
0x87: {  	s0 =	sadd.s32 @!p0 $0x9BC0, s26;
	s24 =	sadd.s32 @!p0 $0x498, s23;
	s29 =	sadd.s32 @!p0 $0x9580, s26  }
0x88: {  	[tilespmem:s31], [sflag:$0x1] =	stream.indirect.gather @!p0 [hbm4b:s3+s22], $0x20, s28, s22, $0xb8;
	[tilespmem:$0x13800] =	vst v63  }
0x89: {  	s9 =	sadd.s32 @!p0 $0xA840, s26;
	s28 =	sadd.s32 @!p0 $0x4D0, s23;
	s31 =	sadd.s32 @!p0 $0xA200, s26  }
0x8a: {  	[tilespmem:s25], [sflag:$0x1] =	stream.indirect.gather @!p0 [hbm4b:s3+s22], $0x20, s30, s22, $0xb8;
	[tilespmem:$0x13800] =	vst v63  }
0x8b: {  	s10 =	sadd.s32 @!p0 $0xAE80, s26;
	s25 =	sadd.s32 @!p0 $0x508, s23;
	s30 =	sadd.s32 @!p0 $0x540, s23  }
0x8c: {  	[tilespmem:s1], [sflag:$0x1] =	stream.indirect.gather @!p0 [hbm4b:s3+s22], $0x20, s24, s22, $0xb8;
	[tilespmem:$0x13800] =	vst v63  }
0x8d: {  	s11 =	sadd.s32 @!p0 $0xB4C0, s26;
	s12 =	sadd.s32 @!p0 $0xBB00, s26;
	s1 =	sadd.s32 @!p0 $0x578, s23  }
0x8e: {  	[tilespmem:s29], [sflag:$0x1] =	stream.indirect.gather @!p0 [hbm4b:s3+s22], $0x20, s28, s22, $0xb8;
	[tilespmem:$0x13800] =	vst v63  }
0x8f: {  	s24 =	sadd.s32 @!p0 $0x5B0, s23;
	s28 =	sadd.s32 @!p0 $0x5E8, s23;
	s29 =	sadd.s32 @!p0 $0xC140, s26  }
0x90: {  	[tilespmem:s0], [sflag:$0x1] =	stream.indirect.gather @!p0 [hbm4b:s3+s22], $0x20, s25, s22, $0xb8;
	[tilespmem:$0x13800] =	vst v63  }
0x91: {  	s13 =	sadd.s32 @!p0 $0x658, s23;
	s14 =	sadd.s32 @!p0 $0xC780, s26;
	s0 =	sadd.s32 @!p0 $0x620, s23  }
0x92: {  	[tilespmem:s31], [sflag:$0x1] =	stream.indirect.gather @!p0 [hbm4b:s3+s22], $0x20, s30, s22, $0xb8;
	[tilespmem:$0x13800] =	vst v63  }
0x93: {  	s26 =	sadd.s32 @!p0 $0xCDC0, s26;
	s30 =	sadd.s32 @!p0 $0x690, s23;
	s31 =	sadd.s32 @!p0 $0x6C8, s23  }
0x94: {  	[tilespmem:s9], [sflag:$0x1] =	stream.indirect.gather @!p0 [hbm4b:s3+s22], $0x20, s1, s22, $0xb8;
	[tilespmem:$0x13800] =	vst v63  }
0x95: {  	s23 =	smov.u32 s19;
	s19 =	sadd.s32 $0xE00, s19;
	s1 =	smul.u32 $0x19000, s21  }
0x96: {  	[tilespmem:s10], [sflag:$0x1] =	stream.indirect.gather @!p0 [hbm4b:s3+s22], $0x20, s24, s22, $0xb8;
	[tilespmem:$0x13800] =	vst v63  }
0x97: {  	p1 =	sne.s32 s19, $0x1C000;
	s25 =	sshrl.u32 s1, $0x2;
	s24 =	smov.u32 s18  }
0x98: {  	[tilespmem:s11], [sflag:$0x1] =	stream.indirect.gather @!p0 [hbm4b:s3+s22], $0x20, s28, s22, $0xb8;
	[tilespmem:$0x13800] =	vst v63  }
0x99: {  	_ = 	snop  }
0x9a: {  	[tilespmem:s12], [sflag:$0x1] =	stream.indirect.gather @!p0 [hbm4b:s3+s22], $0x20, s0, s22, $0xb8;
	[tilespmem:$0x13800] =	vst v63  }
0x9b: {  	_ = 	snop  }
0x9c: {  	[tilespmem:s29], [sflag:$0x1] =	stream.indirect.gather @!p0 [hbm4b:s3+s22], $0x20, s13, s22, $0xb8;
	[tilespmem:$0x13800] =	vst v63  }
0x9d: {  	_ = 	snop  }
0x9e: {  	[tilespmem:s14], [sflag:$0x1] =	stream.indirect.gather @!p0 [hbm4b:s3+s22], $0x20, s30, s22, $0xb8;
	[tilespmem:$0x13800] =	vst v63  }
0x9f: {  	_ = 	snop  }
0xa0: {  	[tilespmem:s26], [sflag:$0x1] =	stream.indirect.gather @!p0 [hbm4b:s3+s22], $0x20, s31, s22, $0xb8;
	[tilespmem:$0x13800] =	vst v63  }
0xa1: {  	_ =	swait.ge [sflag:s16], $0x640  }
0xa2: {  	[sflag:s16] =	ssyncset.done $0x0  }
0xa3: {  	[sflag:s16] =	ssyncadd.s32 $0xFFFFF9C0  }
0xa4: {  	_ =	swait.ge [sflag:s16], $0x640  }
0xa5: {  	[sflag:s16] =	ssyncset.done $0x0  }
0xa6: {  	[sflag:s16] =	ssyncadd.s32 $0xFFFFF9C0  }
0xa7: {  	_ =	swait.ge [sflag:s16], $0x640  }
0xa8: {  	[sflag:s16] =	ssyncset.done $0x0  }
0xa9: {  	[sflag:s16] =	ssyncadd.s32 $0xFFFFF9C0  }
0xaa: {  	_ =	swait.ge [sflag:s16], $0x640  }
0xab: {  	[sflag:s16] =	ssyncset.done $0x0  }
0xac: {  	[sflag:s16] =	ssyncadd.s32 $0xFFFFF9C0  }
0xad: {  	_ =	swait.ge [sflag:s16], $0x640  }
0xae: {  	[sflag:s16] =	ssyncset.done $0x0  }
0xaf: {  	[sflag:s16] =	ssyncadd.s32 $0xFFFFF9C0  }
0xb0: {  	_ =	swait.ge [sflag:s16], $0x640  }
0xb1: {  	[sflag:s16] =	ssyncset.done $0x0  }
0xb2: {  	[sflag:s16] =	ssyncadd.s32 $0xFFFFF9C0  }
0xb3: {  	_ =	swait.ge [sflag:s16], $0x640  }
0xb4: {  	[sflag:s16] =	ssyncset.done $0x0  }
0xb5: {  	[sflag:s16] =	ssyncadd.s32 $0xFFFFF9C0  }
0xb6: {  	_ =	swait.ge [sflag:s16], $0x640  }
0xb7: {  	[sflag:s16] =	ssyncset.done $0x0  }
0xb8: {  	[sflag:s16] =	ssyncadd.s32 $0xFFFFF9C0  }
0xb9: {  	_ =	swait.ge [sflag:s16], $0x640  }
0xba: {  	[sflag:s16] =	ssyncset.done $0x0  }
0xbb: {  	[sflag:s16] =	ssyncadd.s32 $0xFFFFF9C0  }
0xbc: {  	_ =	swait.ge [sflag:s16], $0x640  }
0xbd: {  	[sflag:s16] =	ssyncset.done $0x0  }
0xbe: {  	[sflag:s16] =	ssyncadd.s32 $0xFFFFF9C0  }
0xbf: {  	_ =	swait.ge [sflag:s16], $0x640  }
0xc0: {  	[sflag:s16] =	ssyncset.done $0x0  }
0xc1: {  	[sflag:s16] =	ssyncadd.s32 $0xFFFFF9C0  }
0xc2: {  	_ =	swait.ge [sflag:s16], $0x640  }
0xc3: {  	[sflag:s16] =	ssyncset.done $0x0  }
0xc4: {  	[sflag:s16] =	ssyncadd.s32 $0xFFFFF9C0  }
0xc5: {  	_ =	swait.ge [sflag:s16], $0x640  }
0xc6: {  	[sflag:s16] =	ssyncset.done $0x0  }
0xc7: {  	[sflag:s16] =	ssyncadd.s32 $0xFFFFF9C0  }
0xc8: {  	_ =	swait.ge [sflag:s16], $0x640  }
0xc9: {  	[sflag:s16] =	ssyncset.done $0x0  }
0xca: {  	[sflag:s16] =	ssyncadd.s32 $0xFFFFF9C0  }
0xcb: {  	_ =	swait.ge [sflag:s16], $0x640  }
0xcc: {  	s20 =	sadd.s32 $0x1, s20;
	s18 =	sadd.s32 $0xC80, s18;
	[sflag:s16] =	ssyncset.done $0x0  }
0xcd: {  	s21 =	sand.u32 $0x1, s20;
	s0 =	sadd.s32 $0x7000, s25;
	[sflag:s16] =	ssyncadd.s32 $0xFFFFF9C0  }
.Ltmp0:
0xce: {  	p0 =	seq.s32 s23, $0x1B200;
	_ =	swait.ge [sflag:s16], $0x640;
	(pc) =	sbr.rel @p1 .LBB2_2-.Ltmp0, $4  }
0xcf: {  	s1 =	sxor.u32 @!p0 $0x1, s21;
	s23 =	sshra.s32 @!p0 s23, $0x2;
	[sflag:s16] =	ssyncset.done $0x0  }
0xd0: {  	s22 =	simm.s32 @!p0 $0x32;
	s26 =	smul.u32 @!p0 $0x19000, s1;
	[sflag:s16] =	ssyncadd.s32 $0xFFFFF9C0  }
0xd1: {  	[hbm4b:s24+s2] =	stream.linear.scatter [tilespmem:s0], [sflag:$0x2], $0x6400, $0x38;
	[tilespmem:$0x13800] =	vst v63  }
0xd2: {  	s25 =	sadd.s32 @!p0 $0x380, s23;
	s24 =	sadd.s32 @!p0 $0x3F0, s23;
	_ =	swait.ge [sflag:s7], $0x6400  }
0xd3: {  	s0 =	sshrl.u32 @!p0 s26, $0x2;
	[sflag:s7] =	ssyncset.done $0x0  }
0xd4: {  	s1 =	sadd.s32 @!p0 $0x7000, s0;
	[sflag:s7] =	ssyncadd.s32 $0xFFFF9C00  }
0xd5: {  	[tilespmem:s1], [sflag:$0x1] =	stream.indirect.gather @!p0 [hbm4b:s3+s22], $0x20, s25, s22, $0xb8;
	[tilespmem:$0x13800] =	vst v63  }
0xd6: {  	s9 =	sadd.s32 @!p0 $0x3B8, s23;
	s1 =	sadd.s32 @!p0 $0x7640, s0  }
0xd7: {  	[tilespmem:s1], [sflag:$0x1] =	stream.indirect.gather @!p0 [hbm4b:s3+s22], $0x20, s9, s22, $0xb8;
	[tilespmem:$0x13800] =	vst v63  }
0xd8: {  	s1 =	sadd.s32 @!p0 $0x7C80, s0  }
0xd9: {  	[tilespmem:s1], [sflag:$0x1] =	stream.indirect.gather @!p0 [hbm4b:s3+s22], $0x20, s24, s22, $0xb8;
	[tilespmem:$0x13800] =	vst v63  }
0xda: {  	s9 =	sor.u32 @!p0 $0x82C0, s0;
	s1 =	sadd.s32 @!p0 $0x428, s23  }
0xdb: {  	[tilespmem:s9], [sflag:$0x1] =	stream.indirect.gather @!p0 [hbm4b:s3+s22], $0x20, s1, s22, $0xb8;
	[tilespmem:$0x13800] =	vst v63  }
0xdc: {  	s1 =	sadd.s32 @!p0 $0x8900, s0;
	s9 =	sadd.s32 @!p0 $0x460, s23  }
0xdd: {  	[tilespmem:s1], [sflag:$0x1] =	stream.indirect.gather @!p0 [hbm4b:s3+s22], $0x20, s9, s22, $0xb8;
	[tilespmem:$0x13800] =	vst v63  }
0xde: {  	s1 =	sadd.s32 @!p0 $0x8F40, s0;
	s9 =	sadd.s32 @!p0 $0x498, s23  }
0xdf: {  	[tilespmem:s1], [sflag:$0x1] =	stream.indirect.gather @!p0 [hbm4b:s3+s22], $0x20, s9, s22, $0xb8;
	[tilespmem:$0x13800] =	vst v63  }
0xe0: {  	s1 =	sadd.s32 @!p0 $0x9580, s0;
	s9 =	sadd.s32 @!p0 $0x4D0, s23  }
0xe1: {  	[tilespmem:s1], [sflag:$0x1] =	stream.indirect.gather @!p0 [hbm4b:s3+s22], $0x20, s9, s22, $0xb8;
	[tilespmem:$0x13800] =	vst v63  }
0xe2: {  	s1 =	sadd.s32 @!p0 $0x9BC0, s0;
	s9 =	sadd.s32 @!p0 $0x508, s23  }
0xe3: {  	[tilespmem:s1], [sflag:$0x1] =	stream.indirect.gather @!p0 [hbm4b:s3+s22], $0x20, s9, s22, $0xb8;
	[tilespmem:$0x13800] =	vst v63  }
0xe4: {  	s1 =	sadd.s32 @!p0 $0xA200, s0;
	s9 =	sadd.s32 @!p0 $0x540, s23  }
0xe5: {  	[tilespmem:s1], [sflag:$0x1] =	stream.indirect.gather @!p0 [hbm4b:s3+s22], $0x20, s9, s22, $0xb8;
	[tilespmem:$0x13800] =	vst v63  }
0xe6: {  	s1 =	sadd.s32 @!p0 $0xA840, s0;
	s9 =	sadd.s32 @!p0 $0x578, s23  }
0xe7: {  	[tilespmem:s1], [sflag:$0x1] =	stream.indirect.gather @!p0 [hbm4b:s3+s22], $0x20, s9, s22, $0xb8;
	[tilespmem:$0x13800] =	vst v63  }
0xe8: {  	s1 =	sadd.s32 @!p0 $0xAE80, s0;
	s9 =	sadd.s32 @!p0 $0x5B0, s23  }
0xe9: {  	[tilespmem:s1], [sflag:$0x1] =	stream.indirect.gather @!p0 [hbm4b:s3+s22], $0x20, s9, s22, $0xb8;
	[tilespmem:$0x13800] =	vst v63  }
0xea: {  	s1 =	sadd.s32 @!p0 $0xB4C0, s0;
	s9 =	sadd.s32 @!p0 $0x5E8, s23  }
0xeb: {  	[tilespmem:s1], [sflag:$0x1] =	stream.indirect.gather @!p0 [hbm4b:s3+s22], $0x20, s9, s22, $0xb8;
	[tilespmem:$0x13800] =	vst v63  }
0xec: {  	s1 =	sadd.s32 @!p0 $0xBB00, s0;
	s9 =	sadd.s32 @!p0 $0x620, s23  }
0xed: {  	[tilespmem:s1], [sflag:$0x1] =	stream.indirect.gather @!p0 [hbm4b:s3+s22], $0x20, s9, s22, $0xb8;
	[tilespmem:$0x13800] =	vst v63  }
0xee: {  	s1 =	sadd.s32 @!p0 $0xC140, s0;
	s9 =	sadd.s32 @!p0 $0x658, s23  }
0xef: {  	[tilespmem:s1], [sflag:$0x1] =	stream.indirect.gather @!p0 [hbm4b:s3+s22], $0x20, s9, s22, $0xb8;
	[tilespmem:$0x13800] =	vst v63  }
0xf0: {  	s1 =	sadd.s32 @!p0 $0xC780, s0;
	s9 =	sadd.s32 @!p0 $0x690, s23  }
0xf1: {  	[tilespmem:s1], [sflag:$0x1] =	stream.indirect.gather @!p0 [hbm4b:s3+s22], $0x20, s9, s22, $0xb8;
	[tilespmem:$0x13800] =	vst v63  }
0xf2: {  	s0 =	sadd.s32 @!p0 $0xCDC0, s0;
	s1 =	sadd.s32 @!p0 $0x6C8, s23  }
0xf3: {  	[tilespmem:s0], [sflag:$0x1] =	stream.indirect.gather @!p0 [hbm4b:s3+s22], $0x20, s1, s22, $0xb8;
	[tilespmem:$0x13800] =	vst v63  }
0xf4: {  	_ =	swait.ge [sflag:s16], $0x640  }
0xf5: {  	[sflag:s16] =	ssyncset.done $0x0  }
0xf6: {  	[sflag:s16] =	ssyncadd.s32 $0xFFFFF9C0  }
0xf7: {  	_ =	swait.ge [sflag:s16], $0x640  }
0xf8: {  	[sflag:s16] =	ssyncset.done $0x0  }
0xf9: {  	[sflag:s16] =	ssyncadd.s32 $0xFFFFF9C0  }
0xfa: {  	_ =	swait.ge [sflag:s16], $0x640  }
0xfb: {  	[sflag:s16] =	ssyncset.done $0x0  }
0xfc: {  	[sflag:s16] =	ssyncadd.s32 $0xFFFFF9C0  }
0xfd: {  	_ =	swait.ge [sflag:s16], $0x640  }
0xfe: {  	[sflag:s16] =	ssyncset.done $0x0  }
0xff: {  	[sflag:s16] =	ssyncadd.s32 $0xFFFFF9C0  }
0x100: {  	_ =	swait.ge [sflag:s16], $0x640  }
0x101: {  	[sflag:s16] =	ssyncset.done $0x0  }
0x102: {  	[sflag:s16] =	ssyncadd.s32 $0xFFFFF9C0  }
0x103: {  	_ =	swait.ge [sflag:s16], $0x640  }
0x104: {  	[sflag:s16] =	ssyncset.done $0x0  }
0x105: {  	[sflag:s16] =	ssyncadd.s32 $0xFFFFF9C0  }
0x106: {  	_ =	swait.ge [sflag:s16], $0x640  }
0x107: {  	[sflag:s16] =	ssyncset.done $0x0  }
0x108: {  	[sflag:s16] =	ssyncadd.s32 $0xFFFFF9C0  }
0x109: {  	_ =	swait.ge [sflag:s16], $0x640  }
0x10a: {  	[sflag:s16] =	ssyncset.done $0x0  }
0x10b: {  	[sflag:s16] =	ssyncadd.s32 $0xFFFFF9C0  }
0x10c: {  	_ =	swait.ge [sflag:s16], $0x640  }
0x10d: {  	[sflag:s16] =	ssyncset.done $0x0  }
0x10e: {  	[sflag:s16] =	ssyncadd.s32 $0xFFFFF9C0  }
0x10f: {  	_ =	swait.ge [sflag:s16], $0x640  }
0x110: {  	[sflag:s16] =	ssyncset.done $0x0  }
0x111: {  	[sflag:s16] =	ssyncadd.s32 $0xFFFFF9C0  }
0x112: {  	_ =	swait.ge [sflag:s16], $0x640  }
0x113: {  	[sflag:s16] =	ssyncset.done $0x0  }
0x114: {  	[sflag:s16] =	ssyncadd.s32 $0xFFFFF9C0  }
0x115: {  	_ =	swait.ge [sflag:s16], $0x640  }
0x116: {  	[sflag:s16] =	ssyncset.done $0x0  }
0x117: {  	[sflag:s16] =	ssyncadd.s32 $0xFFFFF9C0  }
0x118: {  	_ =	swait.ge [sflag:s16], $0x640  }
0x119: {  	[sflag:s16] =	ssyncset.done $0x0  }
0x11a: {  	[sflag:s16] =	ssyncadd.s32 $0xFFFFF9C0  }
0x11b: {  	_ =	swait.ge [sflag:s16], $0x640  }
0x11c: {  	[sflag:s16] =	ssyncset.done $0x0  }
0x11d: {  	[sflag:s16] =	ssyncadd.s32 $0xFFFFF9C0  }
0x11e: {  	_ =	swait.ge [sflag:s16], $0x640  }
0x11f: {  	[sflag:s16] =	ssyncset.done $0x0  }
0x120: {  	s31 =	smul.u32 $0x19000, s21;
	[sflag:s16] =	ssyncadd.s32 $0xFFFFF9C0  }
0x121: {  	s17 =	sadd.s32 $0x1, s17;
	_ =	swait.ge [sflag:s16], $0x640  }
0x122: {  	s0 =	sshrl.u32 s31, $0x2;
	p0 =	sne.s32 s17, s5;
	[sflag:s16] =	ssyncset.done $0x0  }
.Ltmp1:
0x123: {  	s0 =	sadd.s32 $0x7000, s0;
	[sflag:s16] =	ssyncadd.s32 $0xFFFFF9C0;
	(pc) =	sbr.rel @p0 .LBB2_1-.Ltmp1, $4  }
0x124: {  	[hbm4b:s18+s2] =	stream.linear.scatter [tilespmem:s0], [sflag:$0x2], $0x6400, $0x38;
	[tilespmem:$0x13800] =	vst v63  }
0x125: {  	_ =	swait.ge [sflag:s7], $0x6400  }
0x126: {  	[sflag:s7] =	ssyncset.done $0x0  }
0x127: {  	[sflag:s7] =	ssyncadd.s32 $0xFFFF9C00  }
0x128: {  	_ =	sfence.sel $0x180000  }
0x129: {  	[bflag:$0x0] =	sbarrier.arrive $0xFFFF  }
0x12a: {  	_ =	strace $0x90000047  }
0x12b: {  	s0 =	stileid.u32;
	[bflag:$0x2] =	sbarrier.arrive $0xFFFF  }
0x12c: {  	p0 =	sne.s32 s0, $0x0;
	s0 =	rddreg [dreg:$0x2]  }
0x12d: {  	s0 =	sadd.s32 @!p0 $0x100000, s0  }
0x12e: {  	[sflag:s0] =	ssyncadd.tile.s32 @!p0 $0x1;
	_ =	shalt  }
.Lfunc_end2:
_tile_overlayer_lowered:
.L_overlay_start_2:
0x12f: {  	(tag) =	ssettag $0x2  }
0x130: {  	s0 =	rddreg [dreg:$0x0];
	s2 =	stileid.u32  }
0x131: {  	s1 =	rddreg [dreg:$0x1];
	p0 =	sne.s32 s2, $0x0  }
0x132: {  	s3 =	rddreg [dreg:$0x2];
	[bflag:$0x3] =	sbarrier.arrive $0xFFFF;
	s2 =	simm.s32 @!p0 $0x1C02  }
0x133: {  	[timem:s3], [sflag:s2] =	dma.local @!p0 [hbm:s0], s1  }
0x134: {  	s0 =	simm.s32 @!p0 $0x2  }
0x135: {  	_ =	swait.ge @!p0 [sflag:s0], s1  }
0x136: {  	s1 =	ssub.s32 @!p0 $0x0, s1;
	[sflag:s0] =	ssyncset.done @!p0 $0x0  }
0x137: {  	[sflag:s0] =	ssyncadd.s32 @!p0 s1  }
0x138: {  	[bflag:$0x3] =	sbarrier.arrive $0xFFFF  }
0x139: {  	_ =	shalt  }

// kernel: sparse-core-data-format-call.cloned.1.call-start
scs
called_computation_lowered:
.L_overlay_start_0:
0x0: {  	s2 =	sld [smem:$0x3FD9]  }
0x1: {  	s3 =	sld [smem:$0x3FFE];
	_ =	sdelay $0x1  }
0x2: {  	s1 =	srdreg.scid  }
0x3: {  	s0 =	sand.u32 $0x1, s1  }
0x4: {  	s18 =	sshll.u32 s0, $0xA;
	s2 =	sadd.s32 s3, s2  }
0x5: {  	s2 =	sadd.s32 s2, s18  }
0x6: {  	[smem:$0x3FC6] =	sst s2  }
0x7: {  	_ = 	snop  }
0x8: {  	s2 =	sld [smem:$0x3FD0];
	(tm) =	ssettm $0x1  }
0x9: {  	s19 =	sld [smem:$0x3FFB];
	_ =	sdelay $0x3  }
0xa: {  	_ =	strace s19  }
0xb: {  	s3 =	sld [smem:$0x3FFC];
	_ =	sdelay $0x3  }
0xc: {  	_ =	strace s3  }
0xd: {  	s3 =	sld [smem:$0x3FFD];
	_ =	sdelay $0x3  }
0xe: {  	_ =	strace s3  }
0xf: {  	_ =	strace $0x8FFFFFFF  }
0x10: {  	s20 =	sld [smem:$0x3FDB];
	_ =	sdelay $0x1  }
0x11: {  	s4 =	simm.s32 $_scs_section_size  }
0x12: {  	s5 =	simm.s32 $_size__tile_overlayer_lowered;
	s6 =	simm.s32 $_tile_overlayer_lowered  }
0x13: {  	s23 =	simm.s32 $0x1BFF;
	s22 =	sshll.u32 s6, $0x1;
	s3 =	sadd.s32 s4, s20  }
0x14: {  	s7 =	simm.s32 $0x0;
	s21 =	sshll.u32 s5, $0x1;
	s5 =	sadd.s32 s22, s3  }
0x15: {  	[timem:s7], [sflag:s23] =	dma.local [hbm:s5], s21  }
0x16: {  	_ =	swait.ge [sflag:s23], s21  }
0x17: {  	s4 =	ssub.s32 $0x0, s21;
	[sflag:s23] =	ssyncset.done $0x0  }
0x18: {  	[sflag:s23] =	ssyncadd.s32 s4;
	_ =	sdelay $0x1  }
0x19: {  	s24 =	simm.s32 $0x1B8B  }
0x1a: {  	_ =	swait.ge [sflag:s24], $0x1  }
0x1b: {  	[sflag:s24] =	ssyncset.done $0x0  }
0x1c: {  	s26 =	simm.s32 $0x1B8E;
	s25 =	sld [smem:$0x3FFE];
	[sflag:s24] =	ssyncadd.s32 $0xFFFFFFFF  }
0x1d: {  	s27 =	simm.s32 $execute0_lowered;
	[smem:$0x3FD2] =	sst s26  }
0x1e: {  	s5 =	sshll.u32 s27, $0x1;
	_ =	strace $0x80000049;
	[dreg:$0x1] =	wrdreg $0xFFFFFFFF  }
0x1f: {  	s28 =	simm.s32 $_size_execute0_lowered;
	s3 =	sadd.s32 s3, s5;
	[dreg:$0x0] =	wrdreg $0x0  }
0x20: {  	s5 =	sshll.u32 s28, $0x1;
	[dreg:$0x2] =	wrdreg s3  }
0x21: {  	[dreg:$0x3] =	wrdreg s5  }
0x22: {  	[dreg:$0x4] =	wrdreg $0xC0  }
0x23: {  	_ =	task [dreg:s7], $0x5FFFF  }
0x24: {  	[dreg:$0x1] =	wrdreg $0xFFFFFFFF  }
0x25: {  	[dreg:$0x0] =	wrdreg $0x60  }
0x26: {  	[dreg:$0x2] =	wrdreg s25  }
0x27: {  	[dreg:$0x3] =	wrdreg s2  }
0x28: {  	[dreg:$0x4] =	wrdreg $0x9  }
0x29: {  	_ =	task.clear_ibuf [dreg:s7], $0x5FFFF;
	_ =	strace $0x90000049  }
0x2a: {  	s29 =	simm.s32 $0x9;
	_ =	strace $0x8000004B  }
0x2b: {  	_ =	swait.ge [sflag:s29], $0x1  }
0x2c: {  	[sflag:s29] =	ssyncadd.s32 $0xFFFFFFFF  }
0x2d: {  	_ =	strace $0x9000004B  }
0x2e: {  	_ =	sfence  }
0x2f: {  	s30 =	sld [smem:$0x0];
	_ =	sdelay $0x2  }
0x30: {  	s31 =	sshll.u32 s1, $0xD;
	s1 =	sshrl.u32 s1, $0x2  }
0x31: {  	s3 =	sand.u32 $0x4000, s31;
	s1 =	sadd.s32 s1, s30  }
0x32: {  	s0 =	sor.u32 s3, s0;
	s1 =	sshll.u32 s1, $0x11  }
0x33: {  	s0 =	sor.u32 s1, s0  }
0x34: {  	s0 =	sadd.s32 $0x8F2B, s0  }
0x35: {  	[sflag:s0] =	ssyncadd.remote.s32 $0x1  }
0x36: {  	_ =	sfence.sel $0xFFFF  }
0x37: {  	[dreg:$0x0] =	wrdreg $0xFFFFFFFF;
	(pc) =	sbr.abs _section_cstart, $3  }
0x38: {  	[dreg:$0x1] =	wrdreg $0xFFFFFFFF  }
0x39: {  	_ =	task.clear_ibuf [dreg:s7], $0x2FFFF;
	_ =	strace $0x9FFFFFFF  }
0x3a: {  	(tm) =	ssettm $0x7FFFFFFF  }
0x3b: {  	_ =	shalt  }
tec
execute0_lowered:
.L_overlay_start_1:
0x0: {  	(tag) =	ssettag $0x1  }
0x1: {  	s0 =	srdreg.scid  }
0x2: {  	s1 =	sshll.u32 s0, $0x4  }
0x3: {  	s0 =	stileid.u32;
	s1 =	sand.u32 $0x10, s1  }
0x4: {  	s1 =	sor.u32 s0, s1  }
0x5: {  	s6 =	rddreg [dreg:$0x0];
	s4 =	simm.s32 $0x1;
	s2 =	sshll.u32 s1, $0x7  }
0x6: {  	s7 =	simm.s32 $0x2;
	s12 =	simm.s32 $0x0;
	s1 =	ssub.s32 $0x4000, s2  }
0x7: {  	s8 =	simm.s32 $0x20000;
	s13 =	simm.s32 $0x0;
	s3 =	sand.u32 $0xF80, s1  }
0x8: {  	s9 =	simm.s32 $0x0;
	s5 =	sshrl.u32 s1, $0xC;
	p0 =	sne.s32 s3, $0x0  }
.Ltmp0:
0x9: {  	s1 =	rddreg [dreg:$0x2];
	s4 =	simm.s32 @!p0 $0x0;
	(pc) =	sbr.rel .LBB1_1-.Ltmp0, $4  }
0xa: {  	s11 =	simm.s32 $0x0;
	s3 =	rddreg [dreg:$0x1];
	s5 =	sadd.s32 s4, s5  }
0xb: {  	_ =	strace $0x8000004A;
	s4 =	simm.s32 $0x1;
	s5 =	smul.u32 $0x32, s5  }
0xc: {  	s6 =	sadd.s32 $0xA00, s6;
	s10 =	smov.u32 s2;
	[sflag:s4] =	ssyncpa.u1 $0x0  }
0xd: {  	p0 =	por $0x0, $0x0;
	[sflag:s7] =	ssyncpa.u1 $0x0;
	s7 =	sor.u32 $0x1, s5  }
.LBB1_4:
0xe: {  	s16 =	sshll.u32 s13, $0x3;
	s17 =	sand.u32 $0x78, s13  }
0xf: {  	s30 =	sand.u32 $0xF800, s13;
	s12 =	sshll.u32 s12, $0x10;
	s16 =	sand.u32 $0x3C00, s16  }
0x10: {  	s31 =	sand.u32 $0x7, s13;
	s16 =	sor.u32 s17, s16;
	s17 =	sadd.s32 s3, s30  }
0x11: {  	s13 =	sshll.u32 s31, $0x12;
	s16 =	sshrl.u32 s16, $0x3;
	s12 =	sadd.s32 s12, s17  }
0x12: {  	[tilespmem:s15+$0x0 ss:$0x81] =	vst.msk $0xffff, v0;
	s13 =	sor.u32 $0x400, s13;
	s12 =	sadd.s32 s16, s12  }
0x13: {  	[hbm4b:s12+s13] =	stream.strided.scatter [tilespmem:s14], [sflag:$0x2], $0x1000, s8, s13, $0x20;
	[tilespmem:$0x4040] =	vst v63  }
.LBB1_5:
0x14: {  	s14 =	sadd.s32 $0x1, s9  }
0x15: {  	s12 =	sadd.s32 $0x1000, s10;
	s16 =	smov.u32 s10;
	p2 =	sgt.s32 s14, $0x31  }
0x16: {  	s16 =	smov.u32 @p2 s12  }
0x17: {  	s14 =	simm.s32 @p2 $0x0;
	p2 =	sgt.s32 s16, $0x3FFF  }
0x18: {  	s16 =	smov.u32 @p2 s2;
	p2 =	sne.s32 s11, s7  }
.Ltmp1:
0x19: {  	p1 =	slt.u32 s11, $0x2;
	(pc) =	sbr.rel @!p2 .LBB1_6-.Ltmp1, $4  }
0x1a: {  	s15 =	simm.s32 @!p1 $0x2  }
0x1b: {  	s13 =	smov.u32 s10;
	p0 =	por !p0, !p0;
	_ =	swait.ge @!p1 [sflag:s15], $0x1000  }
0x1c: {  	s12 =	smov.u32 s9;
	[sflag:s15] =	ssyncset.done @!p1 $0x0;
	s9 =	smov.u32 s14  }
0x1d: {  	s11 =	sadd.s32 $0x1, s11;
	[sflag:s15] =	ssyncadd.s32 @!p1 $0xFFFFF000;
	s10 =	smov.u32 s16  }
.LBB1_1:
0x1e: {  	p1 =	sge.u32 s11, s5  }
0x1f: {  	s14 =	sand.u32 @!p1 $0x1FFFFFF, s9  }
0x20: {  	s15 =	smulhi.u32 @!p1 $0x4924925, s14;
	_ =	sdelay $0x1  }
0x21: {  	s15 =	smul.u32 @!p1 $0x38, s15  }
0x22: {  	s16 =	sxor.u32 @!p1 $0xFFFFFFFF, s11;
	s17 =	smul.u32 @!p1 $0x380, s10  }
0x23: {  	s31 =	sadd.s32 $0xFFFFFFFF, s11;
	s16 =	sshll.u32 @!p1 s16, $0xC;
	s14 =	ssub.s32 @!p1 s14, s15  }
0x24: {  	s15 =	sand.u32 @!p1 $0x1000, s16;
	s16 =	sadd.s32 @!p1 s6, s17;
	s14 =	sshll.u32 @!p1 s14, $0x4  }
0x25: {  	s17 =	simm.s32 @!p1 $0x1C00;
	s14 =	sadd.s32 @!p1 s14, s16;
	s16 =	simm.s32 @!p1 $0x20  }
0x26: {  	[tilespmem:s15], [sflag:$0x1] =	stream.strided.gather @!p1 [hbm4b:s14+s16], $0x1000, s17, s16, $0x38;
	[tilespmem:$0x4040] =	vst v63  }
0x27: {  	p1 =	sge.u32 s31, s5  }
.Ltmp2:
0x28: {  	_ = 	snop;
	(pc) =	sbr.rel @p1 .LBB1_5-.Ltmp2, $1  }
0x29: {  	_ =	sdelay $0x3  }
0x2a: {  	s14 =	simm.s32 $0x1  }
0x2b: {  	_ =	swait.ge [sflag:s4], $0x1000;
	s14 =	simm.s32 @!p0 $0x0  }
0x2c: {  	[sflag:s4] =	ssyncset.done $0x0;
	s15 =	sshll.u32 s14, $0xC  }
0x2d: {  	[sflag:s4] =	ssyncadd.s32 $0xFFFFF000;
	s18 =	sor.u32 $0x10, s15  }
0x2e: {  	s14 =	smul.u32 $0x4080, s14;
	v1 =	vld [tilespmem:s18+$0x0]  }
0x2f: {  	s30 =	sand.u32 $0x1, s11;
	v0 =	vld [tilespmem:s18+$0xFFFFFFF0]  }
0x30: {  	s15 =	smul.u32 $0x4080, s30;
	s14 =	sshrl.u32 s14, $0x2  }
0x31: {  	s16 =	sor.u32 $0x2000, s14  }
0x32: {  	s31 =	sshrl.u32 s15, $0x2;
	s15 =	sadd.s32 $0x0, s16  }
0x33: {  	s17 =	simm.s32 $0x4;
	s18 =	sadd.s32 $0x20, s18;
	s14 =	sor.u32 $0x2000, s31;
	[tilespmem:s15+$0x810 ss:$0x81] =	vst.msk $0xffff, v1  }
.LBB1_3:
0x34: {  	v1 =	vld [tilespmem:s18+$0x0];
	p1 =	sne.s32 s17, $0x1FC;
	[tilespmem:s15+$0x0 ss:$0x81] =	vst.msk $0xffff, v0;
	s15 =	smov.u32 s17;
	s17 =	sadd.s32 $0x4, s17  }
.Ltmp3:
0x35: {  	v0 =	vld [tilespmem:s18+$0xFFFFFFF0];
	(pc) =	sbr.rel @p1 .LBB1_3-.Ltmp3, $4  }
0x36: {  	_ = 	snop  }
0x37: {  	s15 =	sshra.s32 s15, $0x2  }
0x38: {  	s15 =	sadd.s32 s15, s16  }
0x39: {  	s18 =	sadd.s32 $0x20, s18;
	[tilespmem:s15+$0x810 ss:$0x81] =	vst.msk $0xffff, v1  }
.Ltmp4:
0x3a: {  	_ = 	snop;
	(pc) =	sbr.rel .LBB1_4-.Ltmp4, $1  }
0x3b: {  	_ =	sdelay $0x3  }
.LBB1_6:
0x3c: {  	_ =	sfence.sel $0x180000  }
0x3d: {  	s2 =	simm.s32 $0x1;
	[bflag:$0x0] =	sbarrier.arrive $0xFFFF  }
0x3e: {  	s31 =	simm.s32 $0x2;
	[sflag:s2] =	ssyncpa.u1 $0x1  }
0x3f: {  	[sflag:s31] =	ssyncpa.u1 $0x1  }
0x40: {  	p0 =	sne.s32 s0, $0x0;
	_ =	strace $0x9000004A  }
0x41: {  	s0 =	sadd.s32 @!p0 $0x100000, s1;
	[bflag:$0x2] =	sbarrier.arrive $0xFFFF  }
0x42: {  	[sflag:s0] =	ssyncadd.tile.s32 @!p0 $0x1;
	_ =	shalt  }
.Lfunc_end1:
_tile_overlayer_lowered:
.L_overlay_start_2:
0x43: {  	(tag) =	ssettag $0x2  }
0x44: {  	s0 =	rddreg [dreg:$0x0];
	s2 =	stileid.u32  }
0x45: {  	s1 =	rddreg [dreg:$0x1];
	p0 =	sne.s32 s2, $0x0  }
0x46: {  	s3 =	rddreg [dreg:$0x2];
	[bflag:$0x3] =	sbarrier.arrive $0xFFFF;
	s2 =	simm.s32 @!p0 $0x1C01  }
0x47: {  	[timem:s3], [sflag:s2] =	dma.local @!p0 [hbm:s0], s1  }
0x48: {  	s0 =	simm.s32 @!p0 $0x1  }
0x49: {  	_ =	swait.ge @!p0 [sflag:s0], s1  }
0x4a: {  	s1 =	ssub.s32 @!p0 $0x0, s1;
	[sflag:s0] =	ssyncset.done @!p0 $0x0  }
0x4b: {  	[sflag:s0] =	ssyncadd.s32 @!p0 s1  }
0x4c: {  	[bflag:$0x3] =	sbarrier.arrive $0xFFFF  }
0x4d: {  	_ =	shalt  }

</sc_bundles>
